<compile_context>
chip_gen: v7x
topology: tpu7x:2x2x1
jax: 0.10.2.dev20260603
libtpu: 0.0.44.dev20260713+nightly
codegen_flags: <defaults>
</compile_context>

<pallas_src>
import functools

import jax
import jax.numpy as jnp
from jax import lax
from jax.experimental import pallas as pl
from jax.experimental.pallas import tpu as pltpu
from jax.experimental.pallas import tpu_sc as plsc

_EMB = 128
_F32 = jnp.float32
_BPS = 4


def _sc_gather_rows(trans_pairs, tidx):
    info = plsc.get_sparse_core_info()
    nc, ns = info.num_cores, info.num_subcores
    nw = nc * ns
    n_off = tidx.shape[0]
    off_per_w = n_off // nw

    mesh = plsc.VectorSubcoreMesh(core_axis_name="c", subcore_axis_name="s")

    @functools.partial(
        pl.kernel,
        mesh=mesh,
        out_type=jax.ShapeDtypeStruct((n_off, 128), _F32),
        scratch_types=[
            pltpu.VMEM((off_per_w,), jnp.int32),
            pltpu.VMEM((off_per_w, 128), _F32),
            pltpu.SemaphoreType.DMA,
        ],
    )
    def body(trans_hbm, tidx_hbm, offrows_hbm, tidx_v, trows_v, sem):
        wid = lax.axis_index("s") * nc + lax.axis_index("c")
        tbase = wid * off_per_w
        pltpu.sync_copy(tidx_hbm.at[pl.ds(tbase, off_per_w)], tidx_v)
        pltpu.async_copy(trans_hbm.at[tidx_v], trows_v, sem).wait()
        pltpu.sync_copy(trows_v, offrows_hbm.at[pl.ds(tbase, off_per_w)])

    return body(trans_pairs, tidx)


def _node_norm_stats(x, n, ddof_n):
    s1 = jnp.sum(x, axis=1, keepdims=True)
    s2 = jnp.sum(x * x, axis=1, keepdims=True)
    mean = s1 / n
    var = (s2 - s1 * s1 / n) / ddof_n
    scale = 1.0 / (jnp.sqrt(var) + 1e-5)
    return mean, scale


def _half_select(rows128, par):
    return jnp.where(par > 0.5, rows128[:, 64:], rows128[:, :64])


def _tc_body(fo, fm, fv, pt, tt, orow, opar, step, prev,
             wo, bo, wm, bm, wv, bv,
             eo_out, em_out, ev_out, pto_out, no_out, noff_out, nov_out,
             praw_s, ov_s, off_s, trans_s, e0o_s, e0m_s, e0v_s, acc_s):
    ph = pl.program_id(0)
    b = pl.program_id(1)
    nb = pl.num_programs(1)
    lane = lax.broadcasted_iota(jnp.int32, (1, 128), 1)

    @pl.when(ph == 0)
    def _phase0():
        vecs = None
        for i in range(_BPS):
            x = fo[i]
            mean_o, scale_o = _node_norm_stats(x, 2000.0, 1999.0)
            step_v = step[i]
            oh = (lax.broadcasted_iota(jnp.int32, (2000, 200), 0)
                  == step_v).astype(_F32)
            gat = lax.dot_general(x, oh, (((1,), (0,)), ((), ())))
            gn = (gat - mean_o) * scale_o
            eo = lax.dot_general(gn, wo[...],
                                 (((0,), (1,)), ((), ()))) + bo[...]
            eo_out[i] = eo

            xm = fm[i]
            mean_m, scale_m = _node_norm_stats(xm, 64.0, 63.0)
            nm = (xm - mean_m) * scale_m
            em = lax.dot_general(nm, wm[...],
                                 (((0,), (1,)), ((), ()))) + bm[...]
            em_out[i] = em

            xv = fv[i]
            mean_v, scale_v = _node_norm_stats(xv, 32.0, 31.0)
            nv = (xv - mean_v) * scale_v
            ev = lax.dot_general(nv, wv[...],
                                 (((0,), (1,)), ((), ()))) + bv[...]
            ev_out[i] = ev

            orows = _half_select(orow[i], opar[i])
            prev_v = prev[i]
            ohp = (lax.broadcasted_iota(jnp.int32, (64, 200), 0)
                   == prev_v).astype(_F32)
            ov = lax.dot_general(orows, ohp,
                                 (((1,), (0,)), ((), ())))

            p = pt[i]
            praw = lax.dot_general(p, oh,
                                   (((1,), (0,)), ((), ())))

            t = tt[i]
            praw_s[_BPS * b + i] = praw
            ov_s[_BPS * b + i] = ov
            off_s[_BPS * b + i] = orows
            trans_s[_BPS * b + i] = t

            ps = jnp.sum(p)
            ps2 = jnp.sum(p * p)
            ts = jnp.sum(t)
            ts2 = jnp.sum(t * t)
            os_ = jnp.sum(orows)
            os2 = jnp.sum(orows * orows)
            vs = jnp.sum(ov)
            vs2 = jnp.sum(ov * ov)
            vec = jnp.where(lane == 0, ps, 0.0)
            vec = vec + jnp.where(lane == 1, ps2, 0.0)
            vec = vec + jnp.where(lane == 2, ts, 0.0)
            vec = vec + jnp.where(lane == 3, ts2, 0.0)
            vec = vec + jnp.where(lane == 4, os_, 0.0)
            vec = vec + jnp.where(lane == 5, os2, 0.0)
            vec = vec + jnp.where(lane == 6, vs, 0.0)
            vec = vec + jnp.where(lane == 7, vs2, 0.0)
            vecs = vec if vecs is None else vecs + vec

        @pl.when(b == 0)
        def _first():
            acc_s[...] = vecs
            e0o_s[...] = eo_out[...]
            e0m_s[...] = em_out[...]
            e0v_s[...] = ev_out[...]

        @pl.when(b != 0)
        def _rest():
            acc_s[...] = acc_s[...] + vecs

    @pl.when(ph == 1)
    def _phase1():
        S = acc_s[...]

        def pick(k):
            return jnp.sum(jnp.where(lane == k, S, 0.0))

        def mstats(s, s2, n):
            mean = s / n
            var = (s2 - s * s / n) / (n - 1.0)
            return mean, 1.0 / (jnp.sqrt(var) + 1e-5)

        m_p, sc_p = mstats(pick(0), pick(1), 8192000.0)
        m_t, sc_t = mstats(pick(2), pick(3), 262144.0)
        m_o, sc_o = mstats(pick(4), pick(5), 131072.0)
        m_v, sc_v = mstats(pick(6), pick(7), 409600.0)

        for i in range(_BPS):
            pto_out[i] = (praw_s[_BPS * b + i] - m_p) * sc_p
            no_out[i] = (trans_s[_BPS * b + i] - m_t) * sc_t
            noff_out[i] = (off_s[_BPS * b + i] - m_o) * sc_o
            nov_out[i] = (ov_s[_BPS * b + i] - m_v) * sc_v

        @pl.when(b == nb - 1)
        def _restore_first_embeds():
            eo_out[...] = e0o_s[...]
            em_out[...] = e0m_s[...]
            ev_out[...] = e0v_s[...]


def kernel(feat_opes_batch, feat_mas_batch, feat_vehs_batch,
           proc_times_batch, trans_times_batch, ope_ma_adj_batch,
           mask_job_finish_batch, mask_veh_procing_batch,
           mask_ma_procing_batch, ope_step_batch, end_ope_biases_batch,
           batch_idxes, veh_loc_batch, prev_ope_locs_batch, allo_ma_batch,
           W_opes, b_opes, W_mas, b_mas, W_vehs, b_vehs):
    B, ope_f, n_opes = feat_opes_batch.shape
    _, ma_f, n_mas = feat_mas_batch.shape
    _, veh_f, n_vehs = feat_vehs_batch.shape
    n_jobs = ope_step_batch.shape[1]

    step = jnp.minimum(ope_step_batch, end_ope_biases_batch).astype(jnp.int32)
    vloc = veh_loc_batch.astype(jnp.int32)
    tboff = (jnp.arange(B, dtype=jnp.int32) * (n_mas // 2))[:, None]
    tidx = ((vloc >> 1) + tboff).reshape(-1)
    opar = (vloc & 1).astype(_F32).reshape(B, n_vehs, 1)

    trans_flat = trans_times_batch.reshape(B * n_mas * n_mas // 128, 128)
    off_rows = _sc_gather_rows(trans_flat, tidx).reshape(B, n_vehs, 128)

    proc_t = jnp.transpose(proc_times_batch, (0, 2, 1))

    step3 = step.reshape(B, 1, n_jobs)
    prev3 = prev_ope_locs_batch.astype(jnp.int32).reshape(B, 1, n_jobs)
    bo = b_opes.reshape(1, _EMB)
    bm = b_mas.reshape(1, _EMB)
    bv = b_vehs.reshape(1, _EMB)

    def p0spec(shape):
        return pl.BlockSpec((_BPS,) + shape, lambda p, b: (b * (1 - p), 0, 0))

    def p1spec(shape):
        return pl.BlockSpec((_BPS,) + shape, lambda p, b: (b * p, 0, 0))

    def fullspec(shape):
        nd = len(shape)
        return pl.BlockSpec(shape, lambda p, b, nd=nd: (0,) * nd)

    outs = pl.pallas_call(
        _tc_body,
        grid=(2, B // _BPS),
        in_specs=[
            p0spec((ope_f, n_opes)),
            p0spec((ma_f, n_mas)),
            p0spec((veh_f, n_vehs)),
            p0spec((n_mas, n_opes)),
            p0spec((n_mas, n_mas)),
            p0spec((n_vehs, 128)),
            p0spec((n_vehs, 1)),
            p0spec((1, n_jobs)),
            p0spec((1, n_jobs)),
            fullspec((_EMB, ope_f)),
            fullspec((1, _EMB)),
            fullspec((_EMB, ma_f)),
            fullspec((1, _EMB)),
            fullspec((_EMB, veh_f)),
            fullspec((1, _EMB)),
        ],
        out_specs=[
            p0spec((n_jobs, _EMB)),
            p0spec((n_mas, _EMB)),
            p0spec((n_vehs, _EMB)),
            p1spec((n_mas, n_jobs)),
            p1spec((n_mas, n_mas)),
            p1spec((n_vehs, n_mas)),
            p1spec((n_vehs, n_jobs)),
        ],
        out_shape=[
            jax.ShapeDtypeStruct((B, n_jobs, _EMB), _F32),
            jax.ShapeDtypeStruct((B, n_mas, _EMB), _F32),
            jax.ShapeDtypeStruct((B, n_vehs, _EMB), _F32),
            jax.ShapeDtypeStruct((B, n_mas, n_jobs), _F32),
            jax.ShapeDtypeStruct((B, n_mas, n_mas), _F32),
            jax.ShapeDtypeStruct((B, n_vehs, n_mas), _F32),
            jax.ShapeDtypeStruct((B, n_vehs, n_jobs), _F32),
        ],
        scratch_shapes=[
            pltpu.VMEM((B, n_mas, n_jobs), _F32),
            pltpu.VMEM((B, n_vehs, n_jobs), _F32),
            pltpu.VMEM((B, n_vehs, n_mas), _F32),
            pltpu.VMEM((B, n_mas, n_mas), _F32),
            pltpu.VMEM((_BPS, n_jobs, _EMB), _F32),
            pltpu.VMEM((_BPS, n_mas, _EMB), _F32),
            pltpu.VMEM((_BPS, n_vehs, _EMB), _F32),
            pltpu.VMEM((1, _EMB), _F32),
        ],
    )(feat_opes_batch, feat_mas_batch, feat_vehs_batch,
      proc_t, trans_times_batch, off_rows, opar, step3, prev3,
      W_opes, bo, W_mas, bm, W_vehs, bv)

    (embed_opes, embed_mas, embed_vehs, pto_t,
     norm_onload, norm_offload, norm_offload_OV) = outs
    proc_time_out = jnp.transpose(pto_t, (0, 2, 1))
    return (embed_opes, embed_mas, embed_vehs, proc_time_out,
            norm_onload, norm_offload, norm_offload_OV)

# --- scband reference (transcript-rebuilt; emitter-appended) ---
"""Pipeline reference for scband-dtrans-embedder-21414706937942 (READ-ONLY COPY).

The authoritative reference and input builder live on the scoring server;
editing this copy changes nothing except your own understanding.
"""

import jax, jax.numpy as jnp
import numpy as np

EMB = 128

def _lin_init(key, out_f, in_f):
    k1, k2 = jax.random.split(key)
    s = 1.0 / np.sqrt(in_f)
    W = jax.random.uniform(k1, (out_f, in_f), minval=-s, maxval=s, dtype=jnp.float32)
    b = jax.random.uniform(k2, (out_f,), minval=-s, maxval=s, dtype=jnp.float32)
    return W, b

def setup_inputs(seed: int = 0):
    key = jax.random.key(seed)
    ks = jax.random.split(key, 16)
    B, n_opes, n_mas, n_jobs, n_vehs = 64, 2000, 64, 200, 32
    ope_f, ma_f, veh_f = 8, 6, 5
    inp = {}
    inp['feat_opes_batch'] = jax.random.normal(ks[0], (B, ope_f, n_opes), dtype=jnp.float32)
    inp['feat_mas_batch'] = jax.random.normal(ks[1], (B, ma_f, n_mas), dtype=jnp.float32)
    inp['feat_vehs_batch'] = jax.random.normal(ks[2], (B, veh_f, n_vehs), dtype=jnp.float32)
    inp['proc_times_batch'] = jax.random.uniform(ks[3], (B, n_opes, n_mas), dtype=jnp.float32)
    inp['trans_times_batch'] = jax.random.uniform(ks[4], (B, n_mas, n_mas), dtype=jnp.float32)
    inp['ope_ma_adj_batch'] = jax.random.randint(ks[5], (B, n_opes, n_mas), 0, 2)
    inp['mask_job_finish_batch'] = jnp.zeros((B, n_jobs), dtype=bool)
    inp['mask_veh_procing_batch'] = jnp.zeros((B, n_vehs), dtype=bool)
    inp['mask_ma_procing_batch'] = jnp.zeros((B, n_mas), dtype=bool)
    inp['ope_step_batch'] = jax.random.randint(ks[6], (B, n_jobs), 0, n_opes)
    inp['end_ope_biases_batch'] = jax.random.randint(ks[7], (B, n_jobs), 0, n_opes)
    inp['batch_idxes'] = jnp.arange(B)
    inp['veh_loc_batch'] = jax.random.randint(ks[8], (B, n_vehs), 0, n_mas)
    inp['prev_ope_locs_batch'] = jax.random.randint(ks[9], (B, n_jobs), 0, n_mas)
    inp['allo_ma_batch'] = jax.random.randint(ks[10], (B, n_vehs), 0, n_mas)
    inp['W_opes'], inp['b_opes'] = _lin_init(ks[11], EMB, ope_f)
    inp['W_mas'], inp['b_mas'] = _lin_init(ks[12], EMB, ma_f)
    inp['W_vehs'], inp['b_vehs'] = _lin_init(ks[13], EMB, veh_f)
    return inp

def _feat_norm(d):
    return (d - jnp.mean(d)) / (jnp.std(d, ddof=1) + 1e-5)

def _norm_nodes(raw):
    mean = jnp.mean(raw, axis=-2, keepdims=True)
    std = jnp.std(raw, axis=-2, keepdims=True, ddof=1)
    return (raw - mean) / (std + 1e-5)

def reference(feat_opes_batch, feat_mas_batch, feat_vehs_batch, proc_times_batch, trans_times_batch,
              ope_ma_adj_batch, mask_job_finish_batch, mask_veh_procing_batch, mask_ma_procing_batch,
              ope_step_batch, end_ope_biases_batch, batch_idxes, veh_loc_batch, prev_ope_locs_batch,
              allo_ma_batch, W_opes, b_opes, W_mas, b_mas, W_vehs, b_vehs):
    ope_step = jnp.where(ope_step_batch > end_ope_biases_batch, end_ope_biases_batch, ope_step_batch)
    raw_opes = jnp.transpose(feat_opes_batch, (0, 2, 1))[batch_idxes]
    raw_jobs = jnp.take_along_axis(raw_opes, ope_step[:, :, None], axis=1)  # computed as in torch, unused downstream
    raw_mas = jnp.transpose(feat_mas_batch, (0, 2, 1))[batch_idxes]
    raw_vehs = jnp.transpose(feat_vehs_batch, (0, 2, 1))[batch_idxes]
    proc_time = proc_times_batch[batch_idxes]
    onload_trans_time = trans_times_batch[batch_idxes]
    # _get_offload_trans_time
    offload_trans_time = jnp.take_along_axis(onload_trans_time, veh_loc_batch[:, :, None], axis=1)
    offload_trans_time_OV = jnp.take_along_axis(offload_trans_time, prev_ope_locs_batch[:, None, :], axis=2)
    # get_normalized
    norm_opes = _norm_nodes(raw_opes)
    norm_mas = _norm_nodes(raw_mas)
    norm_vehs = _norm_nodes(raw_vehs)
    norm_proc_time = _feat_norm(proc_time)
    norm_onload = _feat_norm(onload_trans_time)
    norm_offload = _feat_norm(offload_trans_time)
    norm_offload_OV = _feat_norm(offload_trans_time_OV)
    # job_centric branch
    norm_opes_j = jnp.take_along_axis(norm_opes, ope_step[:, :, None], axis=1)
    proc_time_out = jnp.take_along_axis(norm_proc_time, ope_step[:, :, None], axis=1)
    embed_opes = norm_opes_j @ W_opes.T + b_opes
    embed_mas = norm_mas @ W_mas.T + b_mas
    embed_vehs = norm_vehs @ W_vehs.T + b_vehs
    return (embed_opes, embed_mas, embed_vehs, proc_time_out, norm_onload, norm_offload, norm_offload_OV)

if __name__ == "__main__":
    import jax
    _d = setup_inputs()
    print(jax.jit(kernel)(*tuple(_d.values())))

</pallas_src>

<mosaic_0001>
#map = affine_map<(d0, d1) -> (0, 0)>
#map1 = affine_map<(d0, d1) -> (0)>
module attributes {stable_mosaic.version = 14 : i64} {
  func.func @body(%arg0: i32, %arg1: i32, %arg2: memref<2048x128xf32, #tpu.memory_space<hbm>>, %arg3: memref<2048xi32, #tpu.memory_space<hbm>>, %arg4: memref<2048x128xf32, #tpu.memory_space<hbm>>, %arg5: memref<64xi32, #tpu.memory_space<vmem>>, %arg6: memref<64x128xf32, #tpu.memory_space<vmem>>, %arg7: memref<!tpu.dma_semaphore, #tpu.memory_space<semaphore_mem>>) attributes {dimension_semantics = [#tpu.dimension_semantics<core_parallel>, #tpu.dimension_semantics<subcore_parallel>], iteration_bounds = array<i64: 2, 16>, scalar_prefetch = 0 : i64, scratch_operands = 3 : i64, tpu.core_type = #tpu.core_type<sc_vector_subcore>, window_params = [{transform_indices = #map}, {transform_indices = #map1}, {transform_indices = #map}]} {
    %mul3A = arith.constant 2 : i32
    %mul3A_0 = arith.muli %arg1, %mul3A : i32
    %add3A = arith.addi %mul3A_0, %arg0 : i32
    %mul3A_1 = arith.constant 64 : i32
    %mul3A_2 = arith.muli %add3A, %mul3A_1 : i32
    "tpu.region"() ({
      %run_scoped3A = tpu.sem_alloc : memref<!tpu.dma_semaphore, #tpu.memory_space<semaphore_mem>>
      %dma_start3A_7 = tpu.memref_slice %arg3[%mul3A_2] : memref<2048xi32, #tpu.memory_space<hbm>> -> memref<64xi32, #tpu.memory_space<hbm>>
      %dma_start3A_8 = tpu.memref_slice %arg3[%mul3A_2] : memref<2048xi32, #tpu.memory_space<hbm>> -> memref<64xi32, #tpu.memory_space<hbm>>
      tpu.enqueue_dma source(%dma_start3A_8 : memref<64xi32, #tpu.memory_space<hbm>>) target(%arg5 : memref<64xi32, #tpu.memory_space<vmem>>) target_semaphore(%run_scoped3A : memref<!tpu.dma_semaphore, #tpu.memory_space<semaphore_mem>>)
      %dma_wait3A_9 = tpu.memref_slice %arg3[%mul3A_2] : memref<2048xi32, #tpu.memory_space<hbm>> -> memref<64xi32, #tpu.memory_space<hbm>>
      %dma_wait3A_10 = tpu.memref_slice %arg3[%mul3A_2] : memref<2048xi32, #tpu.memory_space<hbm>> -> memref<64xi32, #tpu.memory_space<hbm>>
      tpu.wait_dma2 semaphore(%run_scoped3A : memref<!tpu.dma_semaphore, #tpu.memory_space<semaphore_mem>>) src(%dma_wait3A_10 : memref<64xi32, #tpu.memory_space<hbm>>) dst(%arg5 : memref<64xi32, #tpu.memory_space<vmem>>)
      tpu.yield
    }) : () -> ()
    %dma_start3A = arith.constant 0 : i32
    %dma_start3A_3 = arith.constant 0 : i32
    %dma_start3A_4 = tpu.memref_slice %arg2[%dma_start3A, %dma_start3A_3] : memref<2048x128xf32, #tpu.memory_space<hbm>> -> memref<2048x128xf32, #tpu.memory_space<hbm>>
    tpu.enqueue_indirect_dma source(%dma_start3A_4 : memref<2048x128xf32, #tpu.memory_space<hbm>>) target(%arg6 : memref<64x128xf32, #tpu.memory_space<vmem>>) offsets(%arg5 : memref<64xi32, #tpu.memory_space<vmem>>) semaphore(%arg7 : memref<!tpu.dma_semaphore, #tpu.memory_space<semaphore_mem>>)
    %dma_wait3A = arith.constant 0 : i32
    %dma_wait3A_5 = arith.constant 0 : i32
    %dma_wait3A_6 = tpu.memref_slice %arg2[%dma_wait3A, %dma_wait3A_5] : memref<2048x128xf32, #tpu.memory_space<hbm>> -> memref<2048x128xf32, #tpu.memory_space<hbm>>
    tpu.wait_indirect_dma semaphore(%arg7 : memref<!tpu.dma_semaphore, #tpu.memory_space<semaphore_mem>>) src(%dma_wait3A_6 : memref<2048x128xf32, #tpu.memory_space<hbm>>) dst(%arg6 : memref<64x128xf32, #tpu.memory_space<vmem>>)
    "tpu.region"() ({
      %run_scoped3A = tpu.sem_alloc : memref<!tpu.dma_semaphore, #tpu.memory_space<semaphore_mem>>
      %dma_start3A_7 = arith.constant 0 : i32
      %dma_start3A_8 = tpu.memref_slice %arg4[%mul3A_2, %dma_start3A_7] : memref<2048x128xf32, #tpu.memory_space<hbm>> -> memref<64x128xf32, #tpu.memory_space<hbm>>
      %dma_start3A_9 = arith.constant 0 : i32
      %dma_start3A_10 = tpu.memref_slice %arg4[%mul3A_2, %dma_start3A_9] : memref<2048x128xf32, #tpu.memory_space<hbm>> -> memref<64x128xf32, #tpu.memory_space<hbm>>
      tpu.enqueue_dma source(%arg6 : memref<64x128xf32, #tpu.memory_space<vmem>>) target(%dma_start3A_10 : memref<64x128xf32, #tpu.memory_space<hbm>>) target_semaphore(%run_scoped3A : memref<!tpu.dma_semaphore, #tpu.memory_space<semaphore_mem>>)
      %dma_wait3A_11 = arith.constant 0 : i32
      %dma_wait3A_12 = tpu.memref_slice %arg4[%mul3A_2, %dma_wait3A_11] : memref<2048x128xf32, #tpu.memory_space<hbm>> -> memref<64x128xf32, #tpu.memory_space<hbm>>
      %dma_wait3A_13 = arith.constant 0 : i32
      %dma_wait3A_14 = tpu.memref_slice %arg4[%mul3A_2, %dma_wait3A_13] : memref<2048x128xf32, #tpu.memory_space<hbm>> -> memref<64x128xf32, #tpu.memory_space<hbm>>
      tpu.wait_dma2 semaphore(%run_scoped3A : memref<!tpu.dma_semaphore, #tpu.memory_space<semaphore_mem>>) src(%arg6 : memref<64x128xf32, #tpu.memory_space<vmem>>) dst(%dma_wait3A_14 : memref<64x128xf32, #tpu.memory_space<hbm>>)
      tpu.yield
    }) : () -> ()
    return
  }
}

module attributes {stable_mosaic.version = 14 : i64} {
  func.func @_tc_body(%arg0: i32, %arg1: i32, %arg2: memref<4x8x2000xf32, #tpu.memory_space<vmem>>, %arg3: memref<4x6x64xf32, #tpu.memory_space<vmem>>, %arg4: memref<4x5x32xf32, #tpu.memory_space<vmem>>, %arg5: memref<4x64x2000xf32, #tpu.memory_space<vmem>>, %arg6: memref<4x64x64xf32, #tpu.memory_space<vmem>>, %arg7: memref<4x32x128xf32, #tpu.memory_space<vmem>>, %arg8: memref<4x32x1xf32, #tpu.memory_space<vmem>>, %arg9: memref<4x1x200xi32, #tpu.memory_space<vmem>>, %arg10: memref<4x1x200xi32, #tpu.memory_space<vmem>>, %arg11: memref<128x8xf32, #tpu.memory_space<vmem>>, %arg12: memref<1x128xf32, #tpu.memory_space<vmem>>, %arg13: memref<128x6xf32, #tpu.memory_space<vmem>>, %arg14: memref<1x128xf32, #tpu.memory_space<vmem>>, %arg15: memref<128x5xf32, #tpu.memory_space<vmem>>, %arg16: memref<1x128xf32, #tpu.memory_space<vmem>>, %arg17: memref<4x200x128xf32, #tpu.memory_space<vmem>>, %arg18: memref<4x64x128xf32, #tpu.memory_space<vmem>>, %arg19: memref<4x32x128xf32, #tpu.memory_space<vmem>>, %arg20: memref<4x64x200xf32, #tpu.memory_space<vmem>>, %arg21: memref<4x64x64xf32, #tpu.memory_space<vmem>>, %arg22: memref<4x32x64xf32, #tpu.memory_space<vmem>>, %arg23: memref<4x32x200xf32, #tpu.memory_space<vmem>>, %arg24: memref<64x64x200xf32, #tpu.memory_space<vmem>>, %arg25: memref<64x32x200xf32, #tpu.memory_space<vmem>>, %arg26: memref<64x32x64xf32, #tpu.memory_space<vmem>>, %arg27: memref<64x64x64xf32, #tpu.memory_space<vmem>>, %arg28: memref<4x200x128xf32, #tpu.memory_space<vmem>>, %arg29: memref<4x64x128xf32, #tpu.memory_space<vmem>>, %arg30: memref<4x32x128xf32, #tpu.memory_space<vmem>>, %arg31: memref<1x128xf32, #tpu.memory_space<vmem>>) attributes {dimension_semantics = [#tpu.dimension_semantics<arbitrary>, #tpu.dimension_semantics<arbitrary>], iteration_bounds = array<i64: 2, 16>, scalar_prefetch = 0 : i64, scratch_operands = 8 : i64, tpu.core_type = #tpu.core_type<tc>, window_params = [{transform_indices = @transform_0, window_bounds = array<i64: 4, 8, 2000>}, {transform_indices = @transform_1, window_bounds = array<i64: 4, 6, 64>}, {transform_indices = @transform_2, window_bounds = array<i64: 4, 5, 32>}, {transform_indices = @transform_3, window_bounds = array<i64: 4, 64, 2000>}, {transform_indices = @transform_4, window_bounds = array<i64: 4, 64, 64>}, {transform_indices = @transform_5, window_bounds = array<i64: 4, 32, 128>}, {transform_indices = @transform_6, window_bounds = array<i64: 4, 32, 1>}, {transform_indices = @transform_7, window_bounds = array<i64: 4, 1, 200>}, {transform_indices = @transform_8, window_bounds = array<i64: 4, 1, 200>}, {pipeline_mode = #tpu.pipeline_mode<synchronous>, transform_indices = @transform_9, window_bounds = array<i64: 128, 8>}, {pipeline_mode = #tpu.pipeline_mode<synchronous>, transform_indices = @transform_10, window_bounds = array<i64: 1, 128>}, {pipeline_mode = #tpu.pipeline_mode<synchronous>, transform_indices = @transform_11, window_bounds = array<i64: 128, 6>}, {pipeline_mode = #tpu.pipeline_mode<synchronous>, transform_indices = @transform_12, window_bounds = array<i64: 1, 128>}, {pipeline_mode = #tpu.pipeline_mode<synchronous>, transform_indices = @transform_13, window_bounds = array<i64: 128, 5>}, {pipeline_mode = #tpu.pipeline_mode<synchronous>, transform_indices = @transform_14, window_bounds = array<i64: 1, 128>}, {transform_indices = @transform_15, window_bounds = array<i64: 4, 200, 128>}, {transform_indices = @transform_16, window_bounds = array<i64: 4, 64, 128>}, {transform_indices = @transform_17, window_bounds = array<i64: 4, 32, 128>}, {transform_indices = @transform_18, window_bounds = array<i64: 4, 64, 200>}, {transform_indices = @transform_19, window_bounds = array<i64: 4, 64, 64>}, {transform_indices = @transform_20, window_bounds = array<i64: 4, 32, 64>}, {transform_indices = @transform_21, window_bounds = array<i64: 4, 32, 200>}]} {
    %iota3A = tpu.iota {dimensions = array<i32: 1>} : vector<1x128xi32>
    %eq3A = arith.constant 0 : i32
    %eq3A_0 = arith.cmpi eq, %arg0, %eq3A : i32
    %convert_element_type3A = arith.extui %eq3A_0 : i1 to i32
    %cond3A = arith.constant 0 : i32
    %cond3A_1 = arith.cmpi ne, %convert_element_type3A, %cond3A : i32
    scf.if %cond3A_1 {
      %get3A = arith.constant 0 : index
      %get3A_7 = arith.constant 0 : index
      %get3A_8 = arith.constant 0 : index
      %get3A_9 = vector.load %arg2[%get3A, %get3A_7, %get3A_8] : memref<4x8x2000xf32, #tpu.memory_space<vmem>>, vector<1x8x2000xf32>
      %get3A_10 = vector.shape_cast %get3A_9 : vector<1x8x2000xf32> to vector<8x2000xf32>
      %reduce_sum3A = arith.constant dense<0.000000e+00> : vector<8xf32>
      %reduce_sum3A_11 = vector.multi_reduction <add>, %get3A_10, %reduce_sum3A [1] : vector<8x2000xf32> to vector<8xf32>
      %broadcast_in_dim3A = vector.shape_cast %reduce_sum3A_11 : vector<8xf32> to vector<8x1xf32>
      %mul3A = arith.mulf %get3A_10, %get3A_10 : vector<8x2000xf32>
      %reduce_sum3A_12 = arith.constant dense<0.000000e+00> : vector<8xf32>
      %reduce_sum3A_13 = vector.multi_reduction <add>, %mul3A, %reduce_sum3A_12 [1] : vector<8x2000xf32> to vector<8xf32>
      %broadcast_in_dim3A_14 = vector.shape_cast %reduce_sum3A_13 : vector<8xf32> to vector<8x1xf32>
      %div3A = arith.constant 2.000000e+03 : f32
      %div3A_15 = vector.broadcast %div3A : f32 to vector<8x1xf32>
      %div3A_16 = arith.divf %broadcast_in_dim3A, %div3A_15 : vector<8x1xf32>
      %mul3A_17 = arith.mulf %broadcast_in_dim3A, %broadcast_in_dim3A : vector<8x1xf32>
      %div3A_18 = arith.constant 2.000000e+03 : f32
      %div3A_19 = vector.broadcast %div3A_18 : f32 to vector<8x1xf32>
      %div3A_20 = arith.divf %mul3A_17, %div3A_19 : vector<8x1xf32>
      %sub3A = arith.subf %broadcast_in_dim3A_14, %div3A_20 : vector<8x1xf32>
      %div3A_21 = arith.constant 1.999000e+03 : f32
      %div3A_22 = vector.broadcast %div3A_21 : f32 to vector<8x1xf32>
      %div3A_23 = arith.divf %sub3A, %div3A_22 : vector<8x1xf32>
      %sqrt3A = math.sqrt %div3A_23 : vector<8x1xf32>
      %add3A = arith.constant 9.99999974E-6 : f32
      %add3A_24 = vector.broadcast %add3A : f32 to vector<8x1xf32>
      %add3A_25 = arith.addf %sqrt3A, %add3A_24 : vector<8x1xf32>
      %div3A_26 = arith.constant 1.000000e+00 : f32
      %div3A_27 = vector.broadcast %div3A_26 : f32 to vector<8x1xf32>
      %div3A_28 = arith.divf %div3A_27, %add3A_25 : vector<8x1xf32>
      %get3A_29 = arith.constant 0 : index
      %get3A_30 = arith.constant 0 : index
      %get3A_31 = arith.constant 0 : index
      %get3A_32 = vector.load %arg9[%get3A_29, %get3A_30, %get3A_31] : memref<4x1x200xi32, #tpu.memory_space<vmem>>, vector<1x1x200xi32>
      %get3A_33 = vector.shape_cast %get3A_32 : vector<1x1x200xi32> to vector<1x200xi32>
      %iota3A_34 = tpu.iota {dimensions = array<i32: 0>} : vector<2000x200xi32>
      %eq3A_35 = vector.broadcast %get3A_33 : vector<1x200xi32> to vector<2000x200xi32>
      %eq3A_36 = arith.cmpi eq, %iota3A_34, %eq3A_35 : vector<2000x200xi32>
      %convert_element_type3A_37 = arith.extui %eq3A_36 : vector<2000x200xi1> to vector<2000x200xi32>
      %convert_element_type3A_38 = arith.sitofp %convert_element_type3A_37 : vector<2000x200xi32> to vector<2000x200xf32>
      %dot_general3A = arith.constant dense<0.000000e+00> : vector<8x200xf32>
      %dot_general3A_39 = tpu.matmul %get3A_10, %convert_element_type3A_38, %dot_general3A {dimension_numbers = #tpu.dot_dimension_numbers<[1], [0], [0], [1], [0, 0, 1, 1], [], []>, transpose_lhs_hint = false} : vector<8x2000xf32>, vector<2000x200xf32>, vector<8x200xf32> -> vector<8x200xf32>
      %sub3A_40 = vector.broadcast %div3A_16 : vector<8x1xf32> to vector<8x200xf32>
      %sub3A_41 = arith.subf %dot_general3A_39, %sub3A_40 : vector<8x200xf32>
      %mul3A_42 = vector.broadcast %div3A_28 : vector<8x1xf32> to vector<8x200xf32>
      %mul3A_43 = arith.mulf %sub3A_41, %mul3A_42 : vector<8x200xf32>
      %get3A_44 = arith.constant 0 : index
      %get3A_45 = arith.constant 0 : index
      %get3A_46 = vector.load %arg11[%get3A_44, %get3A_45] : memref<128x8xf32, #tpu.memory_space<vmem>>, vector<128x8xf32>
      %dot_general3A_47 = arith.constant dense<0.000000e+00> : vector<200x128xf32>
      %dot_general3A_48 = tpu.matmul %mul3A_43, %get3A_46, %dot_general3A_47 {dimension_numbers = #tpu.dot_dimension_numbers<[0], [1], [1], [0], [0, 1, 1, 0], [], []>, transpose_lhs_hint = false} : vector<8x200xf32>, vector<128x8xf32>, vector<200x128xf32> -> vector<200x128xf32>
      %get3A_49 = arith.constant 0 : index
      %get3A_50 = arith.constant 0 : index
      %get3A_51 = vector.load %arg12[%get3A_49, %get3A_50] : memref<1x128xf32, #tpu.memory_space<vmem>>, vector<1x128xf32>
      %add3A_52 = vector.broadcast %get3A_51 : vector<1x128xf32> to vector<200x128xf32>
      %add3A_53 = arith.addf %dot_general3A_48, %add3A_52 : vector<200x128xf32>
      %swap3A = arith.constant 0 : index
      %swap3A_54 = arith.constant 0 : index
      %swap3A_55 = arith.constant 0 : index
      %swap3A_56 = vector.load %arg17[%swap3A, %swap3A_54, %swap3A_55] : memref<4x200x128xf32, #tpu.memory_space<vmem>>, vector<1x200x128xf32>
      %swap3A_57 = vector.shape_cast %swap3A_56 : vector<1x200x128xf32> to vector<200x128xf32>
      %swap3A_58 = vector.shape_cast %add3A_53 : vector<200x128xf32> to vector<1x200x128xf32>
      tpu.vector_store %arg17[%swap3A, %swap3A_54, %swap3A_55], %swap3A_58 {strides = array<i32>} : memref<4x200x128xf32, #tpu.memory_space<vmem>>, vector<1x200x128xf32>,
      %get3A_59 = arith.constant 0 : index
      %get3A_60 = arith.constant 0 : index
      %get3A_61 = arith.constant 0 : index
      %get3A_62 = vector.load %arg3[%get3A_59, %get3A_60, %get3A_61] : memref<4x6x64xf32, #tpu.memory_space<vmem>>, vector<1x6x64xf32>
      %get3A_63 = vector.shape_cast %get3A_62 : vector<1x6x64xf32> to vector<6x64xf32>
      %reduce_sum3A_64 = arith.constant dense<0.000000e+00> : vector<6xf32>
      %reduce_sum3A_65 = vector.multi_reduction <add>, %get3A_63, %reduce_sum3A_64 [1] : vector<6x64xf32> to vector<6xf32>
      %broadcast_in_dim3A_66 = vector.shape_cast %reduce_sum3A_65 : vector<6xf32> to vector<6x1xf32>
      %mul3A_67 = arith.mulf %get3A_63, %get3A_63 : vector<6x64xf32>
      %reduce_sum3A_68 = arith.constant dense<0.000000e+00> : vector<6xf32>
      %reduce_sum3A_69 = vector.multi_reduction <add>, %mul3A_67, %reduce_sum3A_68 [1] : vector<6x64xf32> to vector<6xf32>
      %broadcast_in_dim3A_70 = vector.shape_cast %reduce_sum3A_69 : vector<6xf32> to vector<6x1xf32>
      %div3A_71 = arith.constant 6.400000e+01 : f32
      %div3A_72 = vector.broadcast %div3A_71 : f32 to vector<6x1xf32>
      %div3A_73 = arith.divf %broadcast_in_dim3A_66, %div3A_72 : vector<6x1xf32>
      %mul3A_74 = arith.mulf %broadcast_in_dim3A_66, %broadcast_in_dim3A_66 : vector<6x1xf32>
      %div3A_75 = arith.constant 6.400000e+01 : f32
      %div3A_76 = vector.broadcast %div3A_75 : f32 to vector<6x1xf32>
      %div3A_77 = arith.divf %mul3A_74, %div3A_76 : vector<6x1xf32>
      %sub3A_78 = arith.subf %broadcast_in_dim3A_70, %div3A_77 : vector<6x1xf32>
      %div3A_79 = arith.constant 6.300000e+01 : f32
      %div3A_80 = vector.broadcast %div3A_79 : f32 to vector<6x1xf32>
      %div3A_81 = arith.divf %sub3A_78, %div3A_80 : vector<6x1xf32>
      %sqrt3A_82 = math.sqrt %div3A_81 : vector<6x1xf32>
      %add3A_83 = arith.constant 9.99999974E-6 : f32
      %add3A_84 = vector.broadcast %add3A_83 : f32 to vector<6x1xf32>
      %add3A_85 = arith.addf %sqrt3A_82, %add3A_84 : vector<6x1xf32>
      %div3A_86 = arith.constant 1.000000e+00 : f32
      %div3A_87 = vector.broadcast %div3A_86 : f32 to vector<6x1xf32>
      %div3A_88 = arith.divf %div3A_87, %add3A_85 : vector<6x1xf32>
      %sub3A_89 = vector.broadcast %div3A_73 : vector<6x1xf32> to vector<6x64xf32>
      %sub3A_90 = arith.subf %get3A_63, %sub3A_89 : vector<6x64xf32>
      %mul3A_91 = vector.broadcast %div3A_88 : vector<6x1xf32> to vector<6x64xf32>
      %mul3A_92 = arith.mulf %sub3A_90, %mul3A_91 : vector<6x64xf32>
      %get3A_93 = arith.constant 0 : index
      %get3A_94 = arith.constant 0 : index
      %get3A_95 = vector.load %arg13[%get3A_93, %get3A_94] : memref<128x6xf32, #tpu.memory_space<vmem>>, vector<128x6xf32>
      %dot_general3A_96 = arith.constant dense<0.000000e+00> : vector<64x128xf32>
      %dot_general3A_97 = tpu.matmul %mul3A_92, %get3A_95, %dot_general3A_96 {dimension_numbers = #tpu.dot_dimension_numbers<[0], [1], [1], [0], [0, 1, 1, 0], [], []>, transpose_lhs_hint = false} : vector<6x64xf32>, vector<128x6xf32>, vector<64x128xf32> -> vector<64x128xf32>
      %get3A_98 = arith.constant 0 : index
      %get3A_99 = arith.constant 0 : index
      %get3A_100 = vector.load %arg14[%get3A_98, %get3A_99] : memref<1x128xf32, #tpu.memory_space<vmem>>, vector<1x128xf32>
      %add3A_101 = vector.broadcast %get3A_100 : vector<1x128xf32> to vector<64x128xf32>
      %add3A_102 = arith.addf %dot_general3A_97, %add3A_101 : vector<64x128xf32>
      %swap3A_103 = arith.constant 0 : index
      %swap3A_104 = arith.constant 0 : index
      %swap3A_105 = arith.constant 0 : index
      %swap3A_106 = vector.load %arg18[%swap3A_103, %swap3A_104, %swap3A_105] : memref<4x64x128xf32, #tpu.memory_space<vmem>>, vector<1x64x128xf32>
      %swap3A_107 = vector.shape_cast %swap3A_106 : vector<1x64x128xf32> to vector<64x128xf32>
      %swap3A_108 = vector.shape_cast %add3A_102 : vector<64x128xf32> to vector<1x64x128xf32>
      tpu.vector_store %arg18[%swap3A_103, %swap3A_104, %swap3A_105], %swap3A_108 {strides = array<i32>} : memref<4x64x128xf32, #tpu.memory_space<vmem>>, vector<1x64x128xf32>,
      %get3A_109 = arith.constant 0 : index
      %get3A_110 = arith.constant 0 : index
      %get3A_111 = arith.constant 0 : index
      %get3A_112 = vector.load %arg4[%get3A_109, %get3A_110, %get3A_111] : memref<4x5x32xf32, #tpu.memory_space<vmem>>, vector<1x5x32xf32>
      %get3A_113 = vector.shape_cast %get3A_112 : vector<1x5x32xf32> to vector<5x32xf32>
      %reduce_sum3A_114 = arith.constant dense<0.000000e+00> : vector<5xf32>
      %reduce_sum3A_115 = vector.multi_reduction <add>, %get3A_113, %reduce_sum3A_114 [1] : vector<5x32xf32> to vector<5xf32>
      %broadcast_in_dim3A_116 = vector.shape_cast %reduce_sum3A_115 : vector<5xf32> to vector<5x1xf32>
      %mul3A_117 = arith.mulf %get3A_113, %get3A_113 : vector<5x32xf32>
      %reduce_sum3A_118 = arith.constant dense<0.000000e+00> : vector<5xf32>
      %reduce_sum3A_119 = vector.multi_reduction <add>, %mul3A_117, %reduce_sum3A_118 [1] : vector<5x32xf32> to vector<5xf32>
      %broadcast_in_dim3A_120 = vector.shape_cast %reduce_sum3A_119 : vector<5xf32> to vector<5x1xf32>
      %div3A_121 = arith.constant 3.200000e+01 : f32
      %div3A_122 = vector.broadcast %div3A_121 : f32 to vector<5x1xf32>
      %div3A_123 = arith.divf %broadcast_in_dim3A_116, %div3A_122 : vector<5x1xf32>
      %mul3A_124 = arith.mulf %broadcast_in_dim3A_116, %broadcast_in_dim3A_116 : vector<5x1xf32>
      %div3A_125 = arith.constant 3.200000e+01 : f32
      %div3A_126 = vector.broadcast %div3A_125 : f32 to vector<5x1xf32>
      %div3A_127 = arith.divf %mul3A_124, %div3A_126 : vector<5x1xf32>
      %sub3A_128 = arith.subf %broadcast_in_dim3A_120, %div3A_127 : vector<5x1xf32>
      %div3A_129 = arith.constant 3.100000e+01 : f32
      %div3A_130 = vector.broadcast %div3A_129 : f32 to vector<5x1xf32>
      %div3A_131 = arith.divf %sub3A_128, %div3A_130 : vector<5x1xf32>
      %sqrt3A_132 = math.sqrt %div3A_131 : vector<5x1xf32>
      %add3A_133 = arith.constant 9.99999974E-6 : f32
      %add3A_134 = vector.broadcast %add3A_133 : f32 to vector<5x1xf32>
      %add3A_135 = arith.addf %sqrt3A_132, %add3A_134 : vector<5x1xf32>
      %div3A_136 = arith.constant 1.000000e+00 : f32
      %div3A_137 = vector.broadcast %div3A_136 : f32 to vector<5x1xf32>
      %div3A_138 = arith.divf %div3A_137, %add3A_135 : vector<5x1xf32>
      %sub3A_139 = vector.broadcast %div3A_123 : vector<5x1xf32> to vector<5x32xf32>
      %sub3A_140 = arith.subf %get3A_113, %sub3A_139 : vector<5x32xf32>
      %mul3A_141 = vector.broadcast %div3A_138 : vector<5x1xf32> to vector<5x32xf32>
      %mul3A_142 = arith.mulf %sub3A_140, %mul3A_141 : vector<5x32xf32>
      %get3A_143 = arith.constant 0 : index
      %get3A_144 = arith.constant 0 : index
      %get3A_145 = vector.load %arg15[%get3A_143, %get3A_144] : memref<128x5xf32, #tpu.memory_space<vmem>>, vector<128x5xf32>
      %dot_general3A_146 = arith.constant dense<0.000000e+00> : vector<32x128xf32>
      %dot_general3A_147 = tpu.matmul %mul3A_142, %get3A_145, %dot_general3A_146 {dimension_numbers = #tpu.dot_dimension_numbers<[0], [1], [1], [0], [0, 1, 1, 0], [], []>, transpose_lhs_hint = false} : vector<5x32xf32>, vector<128x5xf32>, vector<32x128xf32> -> vector<32x128xf32>
      %get3A_148 = arith.constant 0 : index
      %get3A_149 = arith.constant 0 : index
      %get3A_150 = vector.load %arg16[%get3A_148, %get3A_149] : memref<1x128xf32, #tpu.memory_space<vmem>>, vector<1x128xf32>
      %add3A_151 = vector.broadcast %get3A_150 : vector<1x128xf32> to vector<32x128xf32>
      %add3A_152 = arith.addf %dot_general3A_147, %add3A_151 : vector<32x128xf32>
      %swap3A_153 = arith.constant 0 : index
      %swap3A_154 = arith.constant 0 : index
      %swap3A_155 = arith.constant 0 : index
      %swap3A_156 = vector.load %arg19[%swap3A_153, %swap3A_154, %swap3A_155] : memref<4x32x128xf32, #tpu.memory_space<vmem>>, vector<1x32x128xf32>
      %swap3A_157 = vector.shape_cast %swap3A_156 : vector<1x32x128xf32> to vector<32x128xf32>
      %swap3A_158 = vector.shape_cast %add3A_152 : vector<32x128xf32> to vector<1x32x128xf32>
      tpu.vector_store %arg19[%swap3A_153, %swap3A_154, %swap3A_155], %swap3A_158 {strides = array<i32>} : memref<4x32x128xf32, #tpu.memory_space<vmem>>, vector<1x32x128xf32>,
      %get3A_159 = arith.constant 0 : index
      %get3A_160 = arith.constant 0 : index
      %get3A_161 = arith.constant 0 : index
      %get3A_162 = vector.load %arg7[%get3A_159, %get3A_160, %get3A_161] : memref<4x32x128xf32, #tpu.memory_space<vmem>>, vector<1x32x128xf32>
      %get3A_163 = vector.shape_cast %get3A_162 : vector<1x32x128xf32> to vector<32x128xf32>
      %get3A_164 = arith.constant 0 : index
      %get3A_165 = arith.constant 0 : index
      %get3A_166 = arith.constant 0 : index
      %get3A_167 = vector.load %arg8[%get3A_164, %get3A_165, %get3A_166] : memref<4x32x1xf32, #tpu.memory_space<vmem>>, vector<1x32x1xf32>
      %get3A_168 = vector.shape_cast %get3A_167 : vector<1x32x1xf32> to vector<32x1xf32>
      %gt3A = arith.constant 5.000000e-01 : f32
      %gt3A_169 = vector.broadcast %gt3A : f32 to vector<32x1xf32>
      %gt3A_170 = arith.cmpf ogt, %get3A_168, %gt3A_169 : vector<32x1xf32>
      %slice3A = vector.extract_strided_slice %get3A_163 {offsets = [0, 64], sizes = [32, 64], strides = [1, 1]} : vector<32x128xf32> to vector<32x64xf32>
      %slice3A_171 = vector.extract_strided_slice %get3A_163 {offsets = [0, 0], sizes = [32, 64], strides = [1, 1]} : vector<32x128xf32> to vector<32x64xf32>
      %broadcast_in_dim3A_172 = vector.shape_cast %gt3A_170 : vector<32x1xi1> to vector<32x1xi1>
      %broadcast_in_dim3A_173 = vector.broadcast %broadcast_in_dim3A_172 : vector<32x1xi1> to vector<32x64xi1>
      %select_n3A = arith.select %broadcast_in_dim3A_173, %slice3A, %slice3A_171 : vector<32x64xi1>, vector<32x64xf32>
      %get3A_174 = arith.constant 0 : index
      %get3A_175 = arith.constant 0 : index
      %get3A_176 = arith.constant 0 : index
      %get3A_177 = vector.load %arg10[%get3A_174, %get3A_175, %get3A_176] : memref<4x1x200xi32, #tpu.memory_space<vmem>>, vector<1x1x200xi32>
      %get3A_178 = vector.shape_cast %get3A_177 : vector<1x1x200xi32> to vector<1x200xi32>
      %iota3A_179 = tpu.iota {dimensions = array<i32: 0>} : vector<64x200xi32>
      %eq3A_180 = vector.broadcast %get3A_178 : vector<1x200xi32> to vector<64x200xi32>
      %eq3A_181 = arith.cmpi eq, %iota3A_179, %eq3A_180 : vector<64x200xi32>
      %convert_element_type3A_182 = arith.extui %eq3A_181 : vector<64x200xi1> to vector<64x200xi32>
      %convert_element_type3A_183 = arith.sitofp %convert_element_type3A_182 : vector<64x200xi32> to vector<64x200xf32>
      %dot_general3A_184 = arith.constant dense<0.000000e+00> : vector<32x200xf32>
      %dot_general3A_185 = tpu.matmul %select_n3A, %convert_element_type3A_183, %dot_general3A_184 {dimension_numbers = #tpu.dot_dimension_numbers<[1], [0], [0], [1], [0, 0, 1, 1], [], []>, transpose_lhs_hint = false} : vector<32x64xf32>, vector<64x200xf32>, vector<32x200xf32> -> vector<32x200xf32>
      %get3A_186 = arith.constant 0 : index
      %get3A_187 = arith.constant 0 : index
      %get3A_188 = arith.constant 0 : index
      %get3A_189 = vector.load %arg5[%get3A_186, %get3A_187, %get3A_188] : memref<4x64x2000xf32, #tpu.memory_space<vmem>>, vector<1x64x2000xf32>
      %get3A_190 = vector.shape_cast %get3A_189 : vector<1x64x2000xf32> to vector<64x2000xf32>
      %dot_general3A_191 = arith.constant dense<0.000000e+00> : vector<64x200xf32>
      %dot_general3A_192 = tpu.matmul %get3A_190, %convert_element_type3A_38, %dot_general3A_191 {dimension_numbers = #tpu.dot_dimension_numbers<[1], [0], [0], [1], [0, 0, 1, 1], [], []>, transpose_lhs_hint = false} : vector<64x2000xf32>, vector<2000x200xf32>, vector<64x200xf32> -> vector<64x200xf32>
      %get3A_193 = arith.constant 0 : index
      %get3A_194 = arith.constant 0 : index
      %get3A_195 = arith.constant 0 : index
      %get3A_196 = vector.load %arg6[%get3A_193, %get3A_194, %get3A_195] : memref<4x64x64xf32, #tpu.memory_space<vmem>>, vector<1x64x64xf32>
      %get3A_197 = vector.shape_cast %get3A_196 : vector<1x64x64xf32> to vector<64x64xf32>
      %mul3A_198 = arith.constant 4 : i32
      %mul3A_199 = arith.muli %mul3A_198, %arg1 : i32
      %add3A_200 = arith.constant 0 : i32
      %add3A_201 = arith.addi %mul3A_199, %add3A_200 : i32
      %swap3A_202 = arith.index_cast %add3A_201 : i32 to index
      %swap3A_203 = arith.constant 0 : index
      %swap3A_204 = arith.constant 0 : index
      %swap3A_205 = vector.load %arg24[%swap3A_202, %swap3A_203, %swap3A_204] : memref<64x64x200xf32, #tpu.memory_space<vmem>>, vector<1x64x200xf32>
      %swap3A_206 = vector.shape_cast %swap3A_205 : vector<1x64x200xf32> to vector<64x200xf32>
      %swap3A_207 = vector.shape_cast %dot_general3A_192 : vector<64x200xf32> to vector<1x64x200xf32>
      tpu.vector_store %arg24[%swap3A_202, %swap3A_203, %swap3A_204], %swap3A_207 {strides = array<i32>} : memref<64x64x200xf32, #tpu.memory_space<vmem>>, vector<1x64x200xf32>,
      %mul3A_208 = arith.constant 4 : i32
      %mul3A_209 = arith.muli %mul3A_208, %arg1 : i32
      %add3A_210 = arith.constant 0 : i32
      %add3A_211 = arith.addi %mul3A_209, %add3A_210 : i32
      %swap3A_212 = arith.index_cast %add3A_211 : i32 to index
      %swap3A_213 = arith.constant 0 : index
      %swap3A_214 = arith.constant 0 : index
      %swap3A_215 = vector.load %arg25[%swap3A_212, %swap3A_213, %swap3A_214] : memref<64x32x200xf32, #tpu.memory_space<vmem>>, vector<1x32x200xf32>
      %swap3A_216 = vector.shape_cast %swap3A_215 : vector<1x32x200xf32> to vector<32x200xf32>
      %swap3A_217 = vector.shape_cast %dot_general3A_185 : vector<32x200xf32> to vector<1x32x200xf32>
      tpu.vector_store %arg25[%swap3A_212, %swap3A_213, %swap3A_214], %swap3A_217 {strides = array<i32>} : memref<64x32x200xf32, #tpu.memory_space<vmem>>, vector<1x32x200xf32>,
      %mul3A_218 = arith.constant 4 : i32
      %mul3A_219 = arith.muli %mul3A_218, %arg1 : i32
      %add3A_220 = arith.constant 0 : i32
      %add3A_221 = arith.addi %mul3A_219, %add3A_220 : i32
      %swap3A_222 = arith.index_cast %add3A_221 : i32 to index
      %swap3A_223 = arith.constant 0 : index
      %swap3A_224 = arith.constant 0 : index
      %swap3A_225 = vector.load %arg26[%swap3A_222, %swap3A_223, %swap3A_224] : memref<64x32x64xf32, #tpu.memory_space<vmem>>, vector<1x32x64xf32>
      %swap3A_226 = vector.shape_cast %swap3A_225 : vector<1x32x64xf32> to vector<32x64xf32>
      %swap3A_227 = vector.shape_cast %select_n3A : vector<32x64xf32> to vector<1x32x64xf32>
      tpu.vector_store %arg26[%swap3A_222, %swap3A_223, %swap3A_224], %swap3A_227 {strides = array<i32>} : memref<64x32x64xf32, #tpu.memory_space<vmem>>, vector<1x32x64xf32>,
      %mul3A_228 = arith.constant 4 : i32
      %mul3A_229 = arith.muli %mul3A_228, %arg1 : i32
      %add3A_230 = arith.constant 0 : i32
      %add3A_231 = arith.addi %mul3A_229, %add3A_230 : i32
      %swap3A_232 = arith.index_cast %add3A_231 : i32 to index
      %swap3A_233 = arith.constant 0 : index
      %swap3A_234 = arith.constant 0 : index
      %swap3A_235 = vector.load %arg27[%swap3A_232, %swap3A_233, %swap3A_234] : memref<64x64x64xf32, #tpu.memory_space<vmem>>, vector<1x64x64xf32>
      %swap3A_236 = vector.shape_cast %swap3A_235 : vector<1x64x64xf32> to vector<64x64xf32>
      %swap3A_237 = vector.shape_cast %get3A_197 : vector<64x64xf32> to vector<1x64x64xf32>
      tpu.vector_store %arg27[%swap3A_232, %swap3A_233, %swap3A_234], %swap3A_237 {strides = array<i32>} : memref<64x64x64xf32, #tpu.memory_space<vmem>>, vector<1x64x64xf32>,
      %reduce_sum3A_238 = vector.shape_cast %get3A_190 : vector<64x2000xf32> to vector<1x64x2000xf32>
      %reduce_sum3A_239 = arith.constant dense<0.000000e+00> : vector<1xf32>
      %reduce_sum3A_240 = vector.multi_reduction <add>, %reduce_sum3A_238, %reduce_sum3A_239 [1, 2] : vector<1x64x2000xf32> to vector<1xf32>
      %reduce_sum3A_241 = vector.shape_cast %reduce_sum3A_240 : vector<1xf32> to vector<1x1x1xf32>
      %reduce_sum3A_242 = vector.extract %reduce_sum3A_241[0, 0, 0] : f32 from vector<1x1x1xf32>
      %mul3A_243 = arith.mulf %get3A_190, %get3A_190 : vector<64x2000xf32>
      %reduce_sum3A_244 = vector.shape_cast %mul3A_243 : vector<64x2000xf32> to vector<1x64x2000xf32>
      %reduce_sum3A_245 = arith.constant dense<0.000000e+00> : vector<1xf32>
      %reduce_sum3A_246 = vector.multi_reduction <add>, %reduce_sum3A_244, %reduce_sum3A_245 [1, 2] : vector<1x64x2000xf32> to vector<1xf32>
      %reduce_sum3A_247 = vector.shape_cast %reduce_sum3A_246 : vector<1xf32> to vector<1x1x1xf32>
      %reduce_sum3A_248 = vector.extract %reduce_sum3A_247[0, 0, 0] : f32 from vector<1x1x1xf32>
      %reduce_sum3A_249 = vector.shape_cast %get3A_197 : vector<64x64xf32> to vector<1x64x64xf32>
      %reduce_sum3A_250 = arith.constant dense<0.000000e+00> : vector<1xf32>
      %reduce_sum3A_251 = vector.multi_reduction <add>, %reduce_sum3A_249, %reduce_sum3A_250 [1, 2] : vector<1x64x64xf32> to vector<1xf32>
      %reduce_sum3A_252 = vector.shape_cast %reduce_sum3A_251 : vector<1xf32> to vector<1x1x1xf32>
      %reduce_sum3A_253 = vector.extract %reduce_sum3A_252[0, 0, 0] : f32 from vector<1x1x1xf32>
      %mul3A_254 = arith.mulf %get3A_197, %get3A_197 : vector<64x64xf32>
      %reduce_sum3A_255 = vector.shape_cast %mul3A_254 : vector<64x64xf32> to vector<1x64x64xf32>
      %reduce_sum3A_256 = arith.constant dense<0.000000e+00> : vector<1xf32>
      %reduce_sum3A_257 = vector.multi_reduction <add>, %reduce_sum3A_255, %reduce_sum3A_256 [1, 2] : vector<1x64x64xf32> to vector<1xf32>
      %reduce_sum3A_258 = vector.shape_cast %reduce_sum3A_257 : vector<1xf32> to vector<1x1x1xf32>
      %reduce_sum3A_259 = vector.extract %reduce_sum3A_258[0, 0, 0] : f32 from vector<1x1x1xf32>
      %reduce_sum3A_260 = vector.shape_cast %select_n3A : vector<32x64xf32> to vector<1x32x64xf32>
      %reduce_sum3A_261 = arith.constant dense<0.000000e+00> : vector<1xf32>
      %reduce_sum3A_262 = vector.multi_reduction <add>, %reduce_sum3A_260, %reduce_sum3A_261 [1, 2] : vector<1x32x64xf32> to vector<1xf32>
      %reduce_sum3A_263 = vector.shape_cast %reduce_sum3A_262 : vector<1xf32> to vector<1x1x1xf32>
      %reduce_sum3A_264 = vector.extract %reduce_sum3A_263[0, 0, 0] : f32 from vector<1x1x1xf32>
      %mul3A_265 = arith.mulf %select_n3A, %select_n3A : vector<32x64xf32>
      %reduce_sum3A_266 = vector.shape_cast %mul3A_265 : vector<32x64xf32> to vector<1x32x64xf32>
      %reduce_sum3A_267 = arith.constant dense<0.000000e+00> : vector<1xf32>
      %reduce_sum3A_268 = vector.multi_reduction <add>, %reduce_sum3A_266, %reduce_sum3A_267 [1, 2] : vector<1x32x64xf32> to vector<1xf32>
      %reduce_sum3A_269 = vector.shape_cast %reduce_sum3A_268 : vector<1xf32> to vector<1x1x1xf32>
      %reduce_sum3A_270 = vector.extract %reduce_sum3A_269[0, 0, 0] : f32 from vector<1x1x1xf32>
      %reduce_sum3A_271 = vector.shape_cast %dot_general3A_185 : vector<32x200xf32> to vector<1x32x200xf32>
      %reduce_sum3A_272 = arith.constant dense<0.000000e+00> : vector<1xf32>
      %reduce_sum3A_273 = vector.multi_reduction <add>, %reduce_sum3A_271, %reduce_sum3A_272 [1, 2] : vector<1x32x200xf32> to vector<1xf32>
      %reduce_sum3A_274 = vector.shape_cast %reduce_sum3A_273 : vector<1xf32> to vector<1x1x1xf32>
      %reduce_sum3A_275 = vector.extract %reduce_sum3A_274[0, 0, 0] : f32 from vector<1x1x1xf32>
      %mul3A_276 = arith.mulf %dot_general3A_185, %dot_general3A_185 : vector<32x200xf32>
      %reduce_sum3A_277 = vector.shape_cast %mul3A_276 : vector<32x200xf32> to vector<1x32x200xf32>
      %reduce_sum3A_278 = arith.constant dense<0.000000e+00> : vector<1xf32>
      %reduce_sum3A_279 = vector.multi_reduction <add>, %reduce_sum3A_277, %reduce_sum3A_278 [1, 2] : vector<1x32x200xf32> to vector<1xf32>
      %reduce_sum3A_280 = vector.shape_cast %reduce_sum3A_279 : vector<1xf32> to vector<1x1x1xf32>
      %reduce_sum3A_281 = vector.extract %reduce_sum3A_280[0, 0, 0] : f32 from vector<1x1x1xf32>
      %eq3A_282 = arith.constant 0 : i32
      %eq3A_283 = vector.broadcast %eq3A_282 : i32 to vector<1x128xi32>
      %eq3A_284 = arith.cmpi eq, %iota3A, %eq3A_283 : vector<1x128xi32>
      %jit3A = arith.constant 0.000000e+00 : f32
      %broadcast_in_dim3A_285 = vector.broadcast %reduce_sum3A_242 : f32 to vector<1x128xf32>
      %broadcast_in_dim3A_286 = vector.broadcast %jit3A : f32 to vector<1x128xf32>
      %select_n3A_287 = arith.select %eq3A_284, %broadcast_in_dim3A_285, %broadcast_in_dim3A_286 : vector<1x128xi1>, vector<1x128xf32>
      %eq3A_288 = arith.constant 1 : i32
      %eq3A_289 = vector.broadcast %eq3A_288 : i32 to vector<1x128xi32>
      %eq3A_290 = arith.cmpi eq, %iota3A, %eq3A_289 : vector<1x128xi32>
      %jit3A_291 = arith.constant 0.000000e+00 : f32
      %broadcast_in_dim3A_292 = vector.broadcast %reduce_sum3A_248 : f32 to vector<1x128xf32>
      %broadcast_in_dim3A_293 = vector.broadcast %jit3A_291 : f32 to vector<1x128xf32>
      %select_n3A_294 = arith.select %eq3A_290, %broadcast_in_dim3A_292, %broadcast_in_dim3A_293 : vector<1x128xi1>, vector<1x128xf32>
      %add3A_295 = arith.addf %select_n3A_287, %select_n3A_294 : vector<1x128xf32>
      %eq3A_296 = arith.constant 2 : i32
      %eq3A_297 = vector.broadcast %eq3A_296 : i32 to vector<1x128xi32>
      %eq3A_298 = arith.cmpi eq, %iota3A, %eq3A_297 : vector<1x128xi32>
      %jit3A_299 = arith.constant 0.000000e+00 : f32
      %broadcast_in_dim3A_300 = vector.broadcast %reduce_sum3A_253 : f32 to vector<1x128xf32>
      %broadcast_in_dim3A_301 = vector.broadcast %jit3A_299 : f32 to vector<1x128xf32>
      %select_n3A_302 = arith.select %eq3A_298, %broadcast_in_dim3A_300, %broadcast_in_dim3A_301 : vector<1x128xi1>, vector<1x128xf32>
      %add3A_303 = arith.addf %add3A_295, %select_n3A_302 : vector<1x128xf32>
      %eq3A_304 = arith.constant 3 : i32
      %eq3A_305 = vector.broadcast %eq3A_304 : i32 to vector<1x128xi32>
      %eq3A_306 = arith.cmpi eq, %iota3A, %eq3A_305 : vector<1x128xi32>
      %jit3A_307 = arith.constant 0.000000e+00 : f32
      %broadcast_in_dim3A_308 = vector.broadcast %reduce_sum3A_259 : f32 to vector<1x128xf32>
      %broadcast_in_dim3A_309 = vector.broadcast %jit3A_307 : f32 to vector<1x128xf32>
      %select_n3A_310 = arith.select %eq3A_306, %broadcast_in_dim3A_308, %broadcast_in_dim3A_309 : vector<1x128xi1>, vector<1x128xf32>
      %add3A_311 = arith.addf %add3A_303, %select_n3A_310 : vector<1x128xf32>
      %eq3A_312 = arith.constant 4 : i32
      %eq3A_313 = vector.broadcast %eq3A_312 : i32 to vector<1x128xi32>
      %eq3A_314 = arith.cmpi eq, %iota3A, %eq3A_313 : vector<1x128xi32>
      %jit3A_315 = arith.constant 0.000000e+00 : f32
      %broadcast_in_dim3A_316 = vector.broadcast %reduce_sum3A_264 : f32 to vector<1x128xf32>
      %broadcast_in_dim3A_317 = vector.broadcast %jit3A_315 : f32 to vector<1x128xf32>
      %select_n3A_318 = arith.select %eq3A_314, %broadcast_in_dim3A_316, %broadcast_in_dim3A_317 : vector<1x128xi1>, vector<1x128xf32>
      %add3A_319 = arith.addf %add3A_311, %select_n3A_318 : vector<1x128xf32>
      %eq3A_320 = arith.constant 5 : i32
      %eq3A_321 = vector.broadcast %eq3A_320 : i32 to vector<1x128xi32>
      %eq3A_322 = arith.cmpi eq, %iota3A, %eq3A_321 : vector<1x128xi32>
      %jit3A_323 = arith.constant 0.000000e+00 : f32
      %broadcast_in_dim3A_324 = vector.broadcast %reduce_sum3A_270 : f32 to vector<1x128xf32>
      %broadcast_in_dim3A_325 = vector.broadcast %jit3A_323 : f32 to vector<1x128xf32>
      %select_n3A_326 = arith.select %eq3A_322, %broadcast_in_dim3A_324, %broadcast_in_dim3A_325 : vector<1x128xi1>, vector<1x128xf32>
      %add3A_327 = arith.addf %add3A_319, %select_n3A_326 : vector<1x128xf32>
      %eq3A_328 = arith.constant 6 : i32
      %eq3A_329 = vector.broadcast %eq3A_328 : i32 to vector<1x128xi32>
      %eq3A_330 = arith.cmpi eq, %iota3A, %eq3A_329 : vector<1x128xi32>
      %jit3A_331 = arith.constant 0.000000e+00 : f32
      %broadcast_in_dim3A_332 = vector.broadcast %reduce_sum3A_275 : f32 to vector<1x128xf32>
      %broadcast_in_dim3A_333 = vector.broadcast %jit3A_331 : f32 to vector<1x128xf32>
      %select_n3A_334 = arith.select %eq3A_330, %broadcast_in_dim3A_332, %broadcast_in_dim3A_333 : vector<1x128xi1>, vector<1x128xf32>
      %add3A_335 = arith.addf %add3A_327, %select_n3A_334 : vector<1x128xf32>
      %eq3A_336 = arith.constant 7 : i32
      %eq3A_337 = vector.broadcast %eq3A_336 : i32 to vector<1x128xi32>
      %eq3A_338 = arith.cmpi eq, %iota3A, %eq3A_337 : vector<1x128xi32>
      %jit3A_339 = arith.constant 0.000000e+00 : f32
      %broadcast_in_dim3A_340 = vector.broadcast %reduce_sum3A_281 : f32 to vector<1x128xf32>
      %broadcast_in_dim3A_341 = vector.broadcast %jit3A_339 : f32 to vector<1x128xf32>
      %select_n3A_342 = arith.select %eq3A_338, %broadcast_in_dim3A_340, %broadcast_in_dim3A_341 : vector<1x128xi1>, vector<1x128xf32>
      %add3A_343 = arith.addf %add3A_335, %select_n3A_342 : vector<1x128xf32>
      %get3A_344 = arith.constant 1 : index
      %get3A_345 = arith.constant 0 : index
      %get3A_346 = arith.constant 0 : index
      %get3A_347 = vector.load %arg2[%get3A_344, %get3A_345, %get3A_346] : memref<4x8x2000xf32, #tpu.memory_space<vmem>>, vector<1x8x2000xf32>
      %get3A_348 = vector.shape_cast %get3A_347 : vector<1x8x2000xf32> to vector<8x2000xf32>
      %reduce_sum3A_349 = arith.constant dense<0.000000e+00> : vector<8xf32>
      %reduce_sum3A_350 = vector.multi_reduction <add>, %get3A_348, %reduce_sum3A_349 [1] : vector<8x2000xf32> to vector<8xf32>
      %broadcast_in_dim3A_351 = vector.shape_cast %reduce_sum3A_350 : vector<8xf32> to vector<8x1xf32>
      %mul3A_352 = arith.mulf %get3A_348, %get3A_348 : vector<8x2000xf32>
      %reduce_sum3A_353 = arith.constant dense<0.000000e+00> : vector<8xf32>
      %reduce_sum3A_354 = vector.multi_reduction <add>, %mul3A_352, %reduce_sum3A_353 [1] : vector<8x2000xf32> to vector<8xf32>
      %broadcast_in_dim3A_355 = vector.shape_cast %reduce_sum3A_354 : vector<8xf32> to vector<8x1xf32>
      %div3A_356 = arith.constant 2.000000e+03 : f32
      %div3A_357 = vector.broadcast %div3A_356 : f32 to vector<8x1xf32>
      %div3A_358 = arith.divf %broadcast_in_dim3A_351, %div3A_357 : vector<8x1xf32>
      %mul3A_359 = arith.mulf %broadcast_in_dim3A_351, %broadcast_in_dim3A_351 : vector<8x1xf32>
      %div3A_360 = arith.constant 2.000000e+03 : f32
      %div3A_361 = vector.broadcast %div3A_360 : f32 to vector<8x1xf32>
      %div3A_362 = arith.divf %mul3A_359, %div3A_361 : vector<8x1xf32>
      %sub3A_363 = arith.subf %broadcast_in_dim3A_355, %div3A_362 : vector<8x1xf32>
      %div3A_364 = arith.constant 1.999000e+03 : f32
      %div3A_365 = vector.broadcast %div3A_364 : f32 to vector<8x1xf32>
      %div3A_366 = arith.divf %sub3A_363, %div3A_365 : vector<8x1xf32>
      %sqrt3A_367 = math.sqrt %div3A_366 : vector<8x1xf32>
      %add3A_368 = arith.constant 9.99999974E-6 : f32
      %add3A_369 = vector.broadcast %add3A_368 : f32 to vector<8x1xf32>
      %add3A_370 = arith.addf %sqrt3A_367, %add3A_369 : vector<8x1xf32>
      %div3A_371 = arith.constant 1.000000e+00 : f32
      %div3A_372 = vector.broadcast %div3A_371 : f32 to vector<8x1xf32>
      %div3A_373 = arith.divf %div3A_372, %add3A_370 : vector<8x1xf32>
      %get3A_374 = arith.constant 1 : index
      %get3A_375 = arith.constant 0 : index
      %get3A_376 = arith.constant 0 : index
      %get3A_377 = vector.load %arg9[%get3A_374, %get3A_375, %get3A_376] : memref<4x1x200xi32, #tpu.memory_space<vmem>>, vector<1x1x200xi32>
      %get3A_378 = vector.shape_cast %get3A_377 : vector<1x1x200xi32> to vector<1x200xi32>
      %iota3A_379 = tpu.iota {dimensions = array<i32: 0>} : vector<2000x200xi32>
      %eq3A_380 = vector.broadcast %get3A_378 : vector<1x200xi32> to vector<2000x200xi32>
      %eq3A_381 = arith.cmpi eq, %iota3A_379, %eq3A_380 : vector<2000x200xi32>
      %convert_element_type3A_382 = arith.extui %eq3A_381 : vector<2000x200xi1> to vector<2000x200xi32>
      %convert_element_type3A_383 = arith.sitofp %convert_element_type3A_382 : vector<2000x200xi32> to vector<2000x200xf32>
      %dot_general3A_384 = arith.constant dense<0.000000e+00> : vector<8x200xf32>
      %dot_general3A_385 = tpu.matmul %get3A_348, %convert_element_type3A_383, %dot_general3A_384 {dimension_numbers = #tpu.dot_dimension_numbers<[1], [0], [0], [1], [0, 0, 1, 1], [], []>, transpose_lhs_hint = false} : vector<8x2000xf32>, vector<2000x200xf32>, vector<8x200xf32> -> vector<8x200xf32>
      %sub3A_386 = vector.broadcast %div3A_358 : vector<8x1xf32> to vector<8x200xf32>
      %sub3A_387 = arith.subf %dot_general3A_385, %sub3A_386 : vector<8x200xf32>
      %mul3A_388 = vector.broadcast %div3A_373 : vector<8x1xf32> to vector<8x200xf32>
      %mul3A_389 = arith.mulf %sub3A_387, %mul3A_388 : vector<8x200xf32>
      %get3A_390 = arith.constant 0 : index
      %get3A_391 = arith.constant 0 : index
      %get3A_392 = vector.load %arg11[%get3A_390, %get3A_391] : memref<128x8xf32, #tpu.memory_space<vmem>>, vector<128x8xf32>
      %dot_general3A_393 = arith.constant dense<0.000000e+00> : vector<200x128xf32>
      %dot_general3A_394 = tpu.matmul %mul3A_389, %get3A_392, %dot_general3A_393 {dimension_numbers = #tpu.dot_dimension_numbers<[0], [1], [1], [0], [0, 1, 1, 0], [], []>, transpose_lhs_hint = false} : vector<8x200xf32>, vector<128x8xf32>, vector<200x128xf32> -> vector<200x128xf32>
      %get3A_395 = arith.constant 0 : index
      %get3A_396 = arith.constant 0 : index
      %get3A_397 = vector.load %arg12[%get3A_395, %get3A_396] : memref<1x128xf32, #tpu.memory_space<vmem>>, vector<1x128xf32>
      %add3A_398 = vector.broadcast %get3A_397 : vector<1x128xf32> to vector<200x128xf32>
      %add3A_399 = arith.addf %dot_general3A_394, %add3A_398 : vector<200x128xf32>
      %swap3A_400 = arith.constant 1 : index
      %swap3A_401 = arith.constant 0 : index
      %swap3A_402 = arith.constant 0 : index
      %swap3A_403 = vector.load %arg17[%swap3A_400, %swap3A_401, %swap3A_402] : memref<4x200x128xf32, #tpu.memory_space<vmem>>, vector<1x200x128xf32>
      %swap3A_404 = vector.shape_cast %swap3A_403 : vector<1x200x128xf32> to vector<200x128xf32>
      %swap3A_405 = vector.shape_cast %add3A_399 : vector<200x128xf32> to vector<1x200x128xf32>
      tpu.vector_store %arg17[%swap3A_400, %swap3A_401, %swap3A_402], %swap3A_405 {strides = array<i32>} : memref<4x200x128xf32, #tpu.memory_space<vmem>>, vector<1x200x128xf32>,
      %get3A_406 = arith.constant 1 : index
      %get3A_407 = arith.constant 0 : index
      %get3A_408 = arith.constant 0 : index
      %get3A_409 = vector.load %arg3[%get3A_406, %get3A_407, %get3A_408] : memref<4x6x64xf32, #tpu.memory_space<vmem>>, vector<1x6x64xf32>
      %get3A_410 = vector.shape_cast %get3A_409 : vector<1x6x64xf32> to vector<6x64xf32>
      %reduce_sum3A_411 = arith.constant dense<0.000000e+00> : vector<6xf32>
      %reduce_sum3A_412 = vector.multi_reduction <add>, %get3A_410, %reduce_sum3A_411 [1] : vector<6x64xf32> to vector<6xf32>
      %broadcast_in_dim3A_413 = vector.shape_cast %reduce_sum3A_412 : vector<6xf32> to vector<6x1xf32>
      %mul3A_414 = arith.mulf %get3A_410, %get3A_410 : vector<6x64xf32>
      %reduce_sum3A_415 = arith.constant dense<0.000000e+00> : vector<6xf32>
      %reduce_sum3A_416 = vector.multi_reduction <add>, %mul3A_414, %reduce_sum3A_415 [1] : vector<6x64xf32> to vector<6xf32>
      %broadcast_in_dim3A_417 = vector.shape_cast %reduce_sum3A_416 : vector<6xf32> to vector<6x1xf32>
      %div3A_418 = arith.constant 6.400000e+01 : f32
      %div3A_419 = vector.broadcast %div3A_418 : f32 to vector<6x1xf32>
      %div3A_420 = arith.divf %broadcast_in_dim3A_413, %div3A_419 : vector<6x1xf32>
      %mul3A_421 = arith.mulf %broadcast_in_dim3A_413, %broadcast_in_dim3A_413 : vector<6x1xf32>
      %div3A_422 = arith.constant 6.400000e+01 : f32
      %div3A_423 = vector.broadcast %div3A_422 : f32 to vector<6x1xf32>
      %div3A_424 = arith.divf %mul3A_421, %div3A_423 : vector<6x1xf32>
      %sub3A_425 = arith.subf %broadcast_in_dim3A_417, %div3A_424 : vector<6x1xf32>
      %div3A_426 = arith.constant 6.300000e+01 : f32
      %div3A_427 = vector.broadcast %div3A_426 : f32 to vector<6x1xf32>
      %div3A_428 = arith.divf %sub3A_425, %div3A_427 : vector<6x1xf32>
      %sqrt3A_429 = math.sqrt %div3A_428 : vector<6x1xf32>
      %add3A_430 = arith.constant 9.99999974E-6 : f32
      %add3A_431 = vector.broadcast %add3A_430 : f32 to vector<6x1xf32>
      %add3A_432 = arith.addf %sqrt3A_429, %add3A_431 : vector<6x1xf32>
      %div3A_433 = arith.constant 1.000000e+00 : f32
      %div3A_434 = vector.broadcast %div3A_433 : f32 to vector<6x1xf32>
      %div3A_435 = arith.divf %div3A_434, %add3A_432 : vector<6x1xf32>
      %sub3A_436 = vector.broadcast %div3A_420 : vector<6x1xf32> to vector<6x64xf32>
      %sub3A_437 = arith.subf %get3A_410, %sub3A_436 : vector<6x64xf32>
      %mul3A_438 = vector.broadcast %div3A_435 : vector<6x1xf32> to vector<6x64xf32>
      %mul3A_439 = arith.mulf %sub3A_437, %mul3A_438 : vector<6x64xf32>
      %get3A_440 = arith.constant 0 : index
      %get3A_441 = arith.constant 0 : index
      %get3A_442 = vector.load %arg13[%get3A_440, %get3A_441] : memref<128x6xf32, #tpu.memory_space<vmem>>, vector<128x6xf32>
      %dot_general3A_443 = arith.constant dense<0.000000e+00> : vector<64x128xf32>
      %dot_general3A_444 = tpu.matmul %mul3A_439, %get3A_442, %dot_general3A_443 {dimension_numbers = #tpu.dot_dimension_numbers<[0], [1], [1], [0], [0, 1, 1, 0], [], []>, transpose_lhs_hint = false} : vector<6x64xf32>, vector<128x6xf32>, vector<64x128xf32> -> vector<64x128xf32>
      %get3A_445 = arith.constant 0 : index
      %get3A_446 = arith.constant 0 : index
      %get3A_447 = vector.load %arg14[%get3A_445, %get3A_446] : memref<1x128xf32, #tpu.memory_space<vmem>>, vector<1x128xf32>
      %add3A_448 = vector.broadcast %get3A_447 : vector<1x128xf32> to vector<64x128xf32>
      %add3A_449 = arith.addf %dot_general3A_444, %add3A_448 : vector<64x128xf32>
      %swap3A_450 = arith.constant 1 : index
      %swap3A_451 = arith.constant 0 : index
      %swap3A_452 = arith.constant 0 : index
      %swap3A_453 = vector.load %arg18[%swap3A_450, %swap3A_451, %swap3A_452] : memref<4x64x128xf32, #tpu.memory_space<vmem>>, vector<1x64x128xf32>
      %swap3A_454 = vector.shape_cast %swap3A_453 : vector<1x64x128xf32> to vector<64x128xf32>
      %swap3A_455 = vector.shape_cast %add3A_449 : vector<64x128xf32> to vector<1x64x128xf32>
      tpu.vector_store %arg18[%swap3A_450, %swap3A_451, %swap3A_452], %swap3A_455 {strides = array<i32>} : memref<4x64x128xf32, #tpu.memory_space<vmem>>, vector<1x64x128xf32>,
      %get3A_456 = arith.constant 1 : index
      %get3A_457 = arith.constant 0 : index
      %get3A_458 = arith.constant 0 : index
      %get3A_459 = vector.load %arg4[%get3A_456, %get3A_457, %get3A_458] : memref<4x5x32xf32, #tpu.memory_space<vmem>>, vector<1x5x32xf32>
      %get3A_460 = vector.shape_cast %get3A_459 : vector<1x5x32xf32> to vector<5x32xf32>
      %reduce_sum3A_461 = arith.constant dense<0.000000e+00> : vector<5xf32>
      %reduce_sum3A_462 = vector.multi_reduction <add>, %get3A_460, %reduce_sum3A_461 [1] : vector<5x32xf32> to vector<5xf32>
      %broadcast_in_dim3A_463 = vector.shape_cast %reduce_sum3A_462 : vector<5xf32> to vector<5x1xf32>
      %mul3A_464 = arith.mulf %get3A_460, %get3A_460 : vector<5x32xf32>
      %reduce_sum3A_465 = arith.constant dense<0.000000e+00> : vector<5xf32>
      %reduce_sum3A_466 = vector.multi_reduction <add>, %mul3A_464, %reduce_sum3A_465 [1] : vector<5x32xf32> to vector<5xf32>
      %broadcast_in_dim3A_467 = vector.shape_cast %reduce_sum3A_466 : vector<5xf32> to vector<5x1xf32>
      %div3A_468 = arith.constant 3.200000e+01 : f32
      %div3A_469 = vector.broadcast %div3A_468 : f32 to vector<5x1xf32>
      %div3A_470 = arith.divf %broadcast_in_dim3A_463, %div3A_469 : vector<5x1xf32>
      %mul3A_471 = arith.mulf %broadcast_in_dim3A_463, %broadcast_in_dim3A_463 : vector<5x1xf32>
      %div3A_472 = arith.constant 3.200000e+01 : f32
      %div3A_473 = vector.broadcast %div3A_472 : f32 to vector<5x1xf32>
      %div3A_474 = arith.divf %mul3A_471, %div3A_473 : vector<5x1xf32>
      %sub3A_475 = arith.subf %broadcast_in_dim3A_467, %div3A_474 : vector<5x1xf32>
      %div3A_476 = arith.constant 3.100000e+01 : f32
      %div3A_477 = vector.broadcast %div3A_476 : f32 to vector<5x1xf32>
      %div3A_478 = arith.divf %sub3A_475, %div3A_477 : vector<5x1xf32>
      %sqrt3A_479 = math.sqrt %div3A_478 : vector<5x1xf32>
      %add3A_480 = arith.constant 9.99999974E-6 : f32
      %add3A_481 = vector.broadcast %add3A_480 : f32 to vector<5x1xf32>
      %add3A_482 = arith.addf %sqrt3A_479, %add3A_481 : vector<5x1xf32>
      %div3A_483 = arith.constant 1.000000e+00 : f32
      %div3A_484 = vector.broadcast %div3A_483 : f32 to vector<5x1xf32>
      %div3A_485 = arith.divf %div3A_484, %add3A_482 : vector<5x1xf32>
      %sub3A_486 = vector.broadcast %div3A_470 : vector<5x1xf32> to vector<5x32xf32>
      %sub3A_487 = arith.subf %get3A_460, %sub3A_486 : vector<5x32xf32>
      %mul3A_488 = vector.broadcast %div3A_485 : vector<5x1xf32> to vector<5x32xf32>
      %mul3A_489 = arith.mulf %sub3A_487, %mul3A_488 : vector<5x32xf32>
      %get3A_490 = arith.constant 0 : index
      %get3A_491 = arith.constant 0 : index
      %get3A_492 = vector.load %arg15[%get3A_490, %get3A_491] : memref<128x5xf32, #tpu.memory_space<vmem>>, vector<128x5xf32>
      %dot_general3A_493 = arith.constant dense<0.000000e+00> : vector<32x128xf32>
      %dot_general3A_494 = tpu.matmul %mul3A_489, %get3A_492, %dot_general3A_493 {dimension_numbers = #tpu.dot_dimension_numbers<[0], [1], [1], [0], [0, 1, 1, 0], [], []>, transpose_lhs_hint = false} : vector<5x32xf32>, vector<128x5xf32>, vector<32x128xf32> -> vector<32x128xf32>
      %get3A_495 = arith.constant 0 : index
      %get3A_496 = arith.constant 0 : index
      %get3A_497 = vector.load %arg16[%get3A_495, %get3A_496] : memref<1x128xf32, #tpu.memory_space<vmem>>, vector<1x128xf32>
      %add3A_498 = vector.broadcast %get3A_497 : vector<1x128xf32> to vector<32x128xf32>
      %add3A_499 = arith.addf %dot_general3A_494, %add3A_498 : vector<32x128xf32>
      %swap3A_500 = arith.constant 1 : index
      %swap3A_501 = arith.constant 0 : index
      %swap3A_502 = arith.constant 0 : index
      %swap3A_503 = vector.load %arg19[%swap3A_500, %swap3A_501, %swap3A_502] : memref<4x32x128xf32, #tpu.memory_space<vmem>>, vector<1x32x128xf32>
      %swap3A_504 = vector.shape_cast %swap3A_503 : vector<1x32x128xf32> to vector<32x128xf32>
      %swap3A_505 = vector.shape_cast %add3A_499 : vector<32x128xf32> to vector<1x32x128xf32>
      tpu.vector_store %arg19[%swap3A_500, %swap3A_501, %swap3A_502], %swap3A_505 {strides = array<i32>} : memref<4x32x128xf32, #tpu.memory_space<vmem>>, vector<1x32x128xf32>,
      %get3A_506 = arith.constant 1 : index
      %get3A_507 = arith.constant 0 : index
      %get3A_508 = arith.constant 0 : index
      %get3A_509 = vector.load %arg7[%get3A_506, %get3A_507, %get3A_508] : memref<4x32x128xf32, #tpu.memory_space<vmem>>, vector<1x32x128xf32>
      %get3A_510 = vector.shape_cast %get3A_509 : vector<1x32x128xf32> to vector<32x128xf32>
      %get3A_511 = arith.constant 1 : index
      %get3A_512 = arith.constant 0 : index
      %get3A_513 = arith.constant 0 : index
      %get3A_514 = vector.load %arg8[%get3A_511, %get3A_512, %get3A_513] : memref<4x32x1xf32, #tpu.memory_space<vmem>>, vector<1x32x1xf32>
      %get3A_515 = vector.shape_cast %get3A_514 : vector<1x32x1xf32> to vector<32x1xf32>
      %gt3A_516 = arith.constant 5.000000e-01 : f32
      %gt3A_517 = vector.broadcast %gt3A_516 : f32 to vector<32x1xf32>
      %gt3A_518 = arith.cmpf ogt, %get3A_515, %gt3A_517 : vector<32x1xf32>
      %slice3A_519 = vector.extract_strided_slice %get3A_510 {offsets = [0, 64], sizes = [32, 64], strides = [1, 1]} : vector<32x128xf32> to vector<32x64xf32>
      %slice3A_520 = vector.extract_strided_slice %get3A_510 {offsets = [0, 0], sizes = [32, 64], strides = [1, 1]} : vector<32x128xf32> to vector<32x64xf32>
      %broadcast_in_dim3A_521 = vector.shape_cast %gt3A_518 : vector<32x1xi1> to vector<32x1xi1>
      %broadcast_in_dim3A_522 = vector.broadcast %broadcast_in_dim3A_521 : vector<32x1xi1> to vector<32x64xi1>
      %select_n3A_523 = arith.select %broadcast_in_dim3A_522, %slice3A_519, %slice3A_520 : vector<32x64xi1>, vector<32x64xf32>
      %get3A_524 = arith.constant 1 : index
      %get3A_525 = arith.constant 0 : index
      %get3A_526 = arith.constant 0 : index
      %get3A_527 = vector.load %arg10[%get3A_524, %get3A_525, %get3A_526] : memref<4x1x200xi32, #tpu.memory_space<vmem>>, vector<1x1x200xi32>
      %get3A_528 = vector.shape_cast %get3A_527 : vector<1x1x200xi32> to vector<1x200xi32>
      %iota3A_529 = tpu.iota {dimensions = array<i32: 0>} : vector<64x200xi32>
      %eq3A_530 = vector.broadcast %get3A_528 : vector<1x200xi32> to vector<64x200xi32>
      %eq3A_531 = arith.cmpi eq, %iota3A_529, %eq3A_530 : vector<64x200xi32>
      %convert_element_type3A_532 = arith.extui %eq3A_531 : vector<64x200xi1> to vector<64x200xi32>
      %convert_element_type3A_533 = arith.sitofp %convert_element_type3A_532 : vector<64x200xi32> to vector<64x200xf32>
      %dot_general3A_534 = arith.constant dense<0.000000e+00> : vector<32x200xf32>
      %dot_general3A_535 = tpu.matmul %select_n3A_523, %convert_element_type3A_533, %dot_general3A_534 {dimension_numbers = #tpu.dot_dimension_numbers<[1], [0], [0], [1], [0, 0, 1, 1], [], []>, transpose_lhs_hint = false} : vector<32x64xf32>, vector<64x200xf32>, vector<32x200xf32> -> vector<32x200xf32>
      %get3A_536 = arith.constant 1 : index
      %get3A_537 = arith.constant 0 : index
      %get3A_538 = arith.constant 0 : index
      %get3A_539 = vector.load %arg5[%get3A_536, %get3A_537, %get3A_538] : memref<4x64x2000xf32, #tpu.memory_space<vmem>>, vector<1x64x2000xf32>
      %get3A_540 = vector.shape_cast %get3A_539 : vector<1x64x2000xf32> to vector<64x2000xf32>
      %dot_general3A_541 = arith.constant dense<0.000000e+00> : vector<64x200xf32>
      %dot_general3A_542 = tpu.matmul %get3A_540, %convert_element_type3A_383, %dot_general3A_541 {dimension_numbers = #tpu.dot_dimension_numbers<[1], [0], [0], [1], [0, 0, 1, 1], [], []>, transpose_lhs_hint = false} : vector<64x2000xf32>, vector<2000x200xf32>, vector<64x200xf32> -> vector<64x200xf32>
      %get3A_543 = arith.constant 1 : index
      %get3A_544 = arith.constant 0 : index
      %get3A_545 = arith.constant 0 : index
      %get3A_546 = vector.load %arg6[%get3A_543, %get3A_544, %get3A_545] : memref<4x64x64xf32, #tpu.memory_space<vmem>>, vector<1x64x64xf32>
      %get3A_547 = vector.shape_cast %get3A_546 : vector<1x64x64xf32> to vector<64x64xf32>
      %mul3A_548 = arith.constant 4 : i32
      %mul3A_549 = arith.muli %mul3A_548, %arg1 : i32
      %add3A_550 = arith.constant 1 : i32
      %add3A_551 = arith.addi %mul3A_549, %add3A_550 : i32
      %swap3A_552 = arith.index_cast %add3A_551 : i32 to index
      %swap3A_553 = arith.constant 0 : index
      %swap3A_554 = arith.constant 0 : index
      %swap3A_555 = vector.load %arg24[%swap3A_552, %swap3A_553, %swap3A_554] : memref<64x64x200xf32, #tpu.memory_space<vmem>>, vector<1x64x200xf32>
      %swap3A_556 = vector.shape_cast %swap3A_555 : vector<1x64x200xf32> to vector<64x200xf32>
      %swap3A_557 = vector.shape_cast %dot_general3A_542 : vector<64x200xf32> to vector<1x64x200xf32>
      tpu.vector_store %arg24[%swap3A_552, %swap3A_553, %swap3A_554], %swap3A_557 {strides = array<i32>} : memref<64x64x200xf32, #tpu.memory_space<vmem>>, vector<1x64x200xf32>,
      %mul3A_558 = arith.constant 4 : i32
      %mul3A_559 = arith.muli %mul3A_558, %arg1 : i32
      %add3A_560 = arith.constant 1 : i32
      %add3A_561 = arith.addi %mul3A_559, %add3A_560 : i32
      %swap3A_562 = arith.index_cast %add3A_561 : i32 to index
      %swap3A_563 = arith.constant 0 : index
      %swap3A_564 = arith.constant 0 : index
      %swap3A_565 = vector.load %arg25[%swap3A_562, %swap3A_563, %swap3A_564] : memref<64x32x200xf32, #tpu.memory_space<vmem>>, vector<1x32x200xf32>
      %swap3A_566 = vector.shape_cast %swap3A_565 : vector<1x32x200xf32> to vector<32x200xf32>
      %swap3A_567 = vector.shape_cast %dot_general3A_535 : vector<32x200xf32> to vector<1x32x200xf32>
      tpu.vector_store %arg25[%swap3A_562, %swap3A_563, %swap3A_564], %swap3A_567 {strides = array<i32>} : memref<64x32x200xf32, #tpu.memory_space<vmem>>, vector<1x32x200xf32>,
      %mul3A_568 = arith.constant 4 : i32
      %mul3A_569 = arith.muli %mul3A_568, %arg1 : i32
      %add3A_570 = arith.constant 1 : i32
      %add3A_571 = arith.addi %mul3A_569, %add3A_570 : i32
      %swap3A_572 = arith.index_cast %add3A_571 : i32 to index
      %swap3A_573 = arith.constant 0 : index
      %swap3A_574 = arith.constant 0 : index
      %swap3A_575 = vector.load %arg26[%swap3A_572, %swap3A_573, %swap3A_574] : memref<64x32x64xf32, #tpu.memory_space<vmem>>, vector<1x32x64xf32>
      %swap3A_576 = vector.shape_cast %swap3A_575 : vector<1x32x64xf32> to vector<32x64xf32>
      %swap3A_577 = vector.shape_cast %select_n3A_523 : vector<32x64xf32> to vector<1x32x64xf32>
      tpu.vector_store %arg26[%swap3A_572, %swap3A_573, %swap3A_574], %swap3A_577 {strides = array<i32>} : memref<64x32x64xf32, #tpu.memory_space<vmem>>, vector<1x32x64xf32>,
      %mul3A_578 = arith.constant 4 : i32
      %mul3A_579 = arith.muli %mul3A_578, %arg1 : i32
      %add3A_580 = arith.constant 1 : i32
      %add3A_581 = arith.addi %mul3A_579, %add3A_580 : i32
      %swap3A_582 = arith.index_cast %add3A_581 : i32 to index
      %swap3A_583 = arith.constant 0 : index
      %swap3A_584 = arith.constant 0 : index
      %swap3A_585 = vector.load %arg27[%swap3A_582, %swap3A_583, %swap3A_584] : memref<64x64x64xf32, #tpu.memory_space<vmem>>, vector<1x64x64xf32>
      %swap3A_586 = vector.shape_cast %swap3A_585 : vector<1x64x64xf32> to vector<64x64xf32>
      %swap3A_587 = vector.shape_cast %get3A_547 : vector<64x64xf32> to vector<1x64x64xf32>
      tpu.vector_store %arg27[%swap3A_582, %swap3A_583, %swap3A_584], %swap3A_587 {strides = array<i32>} : memref<64x64x64xf32, #tpu.memory_space<vmem>>, vector<1x64x64xf32>,
      %reduce_sum3A_588 = vector.shape_cast %get3A_540 : vector<64x2000xf32> to vector<1x64x2000xf32>
      %reduce_sum3A_589 = arith.constant dense<0.000000e+00> : vector<1xf32>
      %reduce_sum3A_590 = vector.multi_reduction <add>, %reduce_sum3A_588, %reduce_sum3A_589 [1, 2] : vector<1x64x2000xf32> to vector<1xf32>
      %reduce_sum3A_591 = vector.shape_cast %reduce_sum3A_590 : vector<1xf32> to vector<1x1x1xf32>
      %reduce_sum3A_592 = vector.extract %reduce_sum3A_591[0, 0, 0] : f32 from vector<1x1x1xf32>
      %mul3A_593 = arith.mulf %get3A_540, %get3A_540 : vector<64x2000xf32>
      %reduce_sum3A_594 = vector.shape_cast %mul3A_593 : vector<64x2000xf32> to vector<1x64x2000xf32>
      %reduce_sum3A_595 = arith.constant dense<0.000000e+00> : vector<1xf32>
      %reduce_sum3A_596 = vector.multi_reduction <add>, %reduce_sum3A_594, %reduce_sum3A_595 [1, 2] : vector<1x64x2000xf32> to vector<1xf32>
      %reduce_sum3A_597 = vector.shape_cast %reduce_sum3A_596 : vector<1xf32> to vector<1x1x1xf32>
      %reduce_sum3A_598 = vector.extract %reduce_sum3A_597[0, 0, 0] : f32 from vector<1x1x1xf32>
      %reduce_sum3A_599 = vector.shape_cast %get3A_547 : vector<64x64xf32> to vector<1x64x64xf32>
      %reduce_sum3A_600 = arith.constant dense<0.000000e+00> : vector<1xf32>
      %reduce_sum3A_601 = vector.multi_reduction <add>, %reduce_sum3A_599, %reduce_sum3A_600 [1, 2] : vector<1x64x64xf32> to vector<1xf32>
      %reduce_sum3A_602 = vector.shape_cast %reduce_sum3A_601 : vector<1xf32> to vector<1x1x1xf32>
      %reduce_sum3A_603 = vector.extract %reduce_sum3A_602[0, 0, 0] : f32 from vector<1x1x1xf32>
      %mul3A_604 = arith.mulf %get3A_547, %get3A_547 : vector<64x64xf32>
      %reduce_sum3A_605 = vector.shape_cast %mul3A_604 : vector<64x64xf32> to vector<1x64x64xf32>
      %reduce_sum3A_606 = arith.constant dense<0.000000e+00> : vector<1xf32>
      %reduce_sum3A_607 = vector.multi_reduction <add>, %reduce_sum3A_605, %reduce_sum3A_606 [1, 2] : vector<1x64x64xf32> to vector<1xf32>
      %reduce_sum3A_608 = vector.shape_cast %reduce_sum3A_607 : vector<1xf32> to vector<1x1x1xf32>
      %reduce_sum3A_609 = vector.extract %reduce_sum3A_608[0, 0, 0] : f32 from vector<1x1x1xf32>
      %reduce_sum3A_610 = vector.shape_cast %select_n3A_523 : vector<32x64xf32> to vector<1x32x64xf32>
      %reduce_sum3A_611 = arith.constant dense<0.000000e+00> : vector<1xf32>
      %reduce_sum3A_612 = vector.multi_reduction <add>, %reduce_sum3A_610, %reduce_sum3A_611 [1, 2] : vector<1x32x64xf32> to vector<1xf32>
      %reduce_sum3A_613 = vector.shape_cast %reduce_sum3A_612 : vector<1xf32> to vector<1x1x1xf32>
      %reduce_sum3A_614 = vector.extract %reduce_sum3A_613[0, 0, 0] : f32 from vector<1x1x1xf32>
      %mul3A_615 = arith.mulf %select_n3A_523, %select_n3A_523 : vector<32x64xf32>
      %reduce_sum3A_616 = vector.shape_cast %mul3A_615 : vector<32x64xf32> to vector<1x32x64xf32>
      %reduce_sum3A_617 = arith.constant dense<0.000000e+00> : vector<1xf32>
      %reduce_sum3A_618 = vector.multi_reduction <add>, %reduce_sum3A_616, %reduce_sum3A_617 [1, 2] : vector<1x32x64xf32> to vector<1xf32>
      %reduce_sum3A_619 = vector.shape_cast %reduce_sum3A_618 : vector<1xf32> to vector<1x1x1xf32>
      %reduce_sum3A_620 = vector.extract %reduce_sum3A_619[0, 0, 0] : f32 from vector<1x1x1xf32>
      %reduce_sum3A_621 = vector.shape_cast %dot_general3A_535 : vector<32x200xf32> to vector<1x32x200xf32>
      %reduce_sum3A_622 = arith.constant dense<0.000000e+00> : vector<1xf32>
      %reduce_sum3A_623 = vector.multi_reduction <add>, %reduce_sum3A_621, %reduce_sum3A_622 [1, 2] : vector<1x32x200xf32> to vector<1xf32>
      %reduce_sum3A_624 = vector.shape_cast %reduce_sum3A_623 : vector<1xf32> to vector<1x1x1xf32>
      %reduce_sum3A_625 = vector.extract %reduce_sum3A_624[0, 0, 0] : f32 from vector<1x1x1xf32>
      %mul3A_626 = arith.mulf %dot_general3A_535, %dot_general3A_535 : vector<32x200xf32>
      %reduce_sum3A_627 = vector.shape_cast %mul3A_626 : vector<32x200xf32> to vector<1x32x200xf32>
      %reduce_sum3A_628 = arith.constant dense<0.000000e+00> : vector<1xf32>
      %reduce_sum3A_629 = vector.multi_reduction <add>, %reduce_sum3A_627, %reduce_sum3A_628 [1, 2] : vector<1x32x200xf32> to vector<1xf32>
      %reduce_sum3A_630 = vector.shape_cast %reduce_sum3A_629 : vector<1xf32> to vector<1x1x1xf32>
      %reduce_sum3A_631 = vector.extract %reduce_sum3A_630[0, 0, 0] : f32 from vector<1x1x1xf32>
      %eq3A_632 = arith.constant 0 : i32
      %eq3A_633 = vector.broadcast %eq3A_632 : i32 to vector<1x128xi32>
      %eq3A_634 = arith.cmpi eq, %iota3A, %eq3A_633 : vector<1x128xi32>
      %jit3A_635 = arith.constant 0.000000e+00 : f32
      %broadcast_in_dim3A_636 = vector.broadcast %reduce_sum3A_592 : f32 to vector<1x128xf32>
      %broadcast_in_dim3A_637 = vector.broadcast %jit3A_635 : f32 to vector<1x128xf32>
      %select_n3A_638 = arith.select %eq3A_634, %broadcast_in_dim3A_636, %broadcast_in_dim3A_637 : vector<1x128xi1>, vector<1x128xf32>
      %eq3A_639 = arith.constant 1 : i32
      %eq3A_640 = vector.broadcast %eq3A_639 : i32 to vector<1x128xi32>
      %eq3A_641 = arith.cmpi eq, %iota3A, %eq3A_640 : vector<1x128xi32>
      %jit3A_642 = arith.constant 0.000000e+00 : f32
      %broadcast_in_dim3A_643 = vector.broadcast %reduce_sum3A_598 : f32 to vector<1x128xf32>
      %broadcast_in_dim3A_644 = vector.broadcast %jit3A_642 : f32 to vector<1x128xf32>
      %select_n3A_645 = arith.select %eq3A_641, %broadcast_in_dim3A_643, %broadcast_in_dim3A_644 : vector<1x128xi1>, vector<1x128xf32>
      %add3A_646 = arith.addf %select_n3A_638, %select_n3A_645 : vector<1x128xf32>
      %eq3A_647 = arith.constant 2 : i32
      %eq3A_648 = vector.broadcast %eq3A_647 : i32 to vector<1x128xi32>
      %eq3A_649 = arith.cmpi eq, %iota3A, %eq3A_648 : vector<1x128xi32>
      %jit3A_650 = arith.constant 0.000000e+00 : f32
      %broadcast_in_dim3A_651 = vector.broadcast %reduce_sum3A_603 : f32 to vector<1x128xf32>
      %broadcast_in_dim3A_652 = vector.broadcast %jit3A_650 : f32 to vector<1x128xf32>
      %select_n3A_653 = arith.select %eq3A_649, %broadcast_in_dim3A_651, %broadcast_in_dim3A_652 : vector<1x128xi1>, vector<1x128xf32>
      %add3A_654 = arith.addf %add3A_646, %select_n3A_653 : vector<1x128xf32>
      %eq3A_655 = arith.constant 3 : i32
      %eq3A_656 = vector.broadcast %eq3A_655 : i32 to vector<1x128xi32>
      %eq3A_657 = arith.cmpi eq, %iota3A, %eq3A_656 : vector<1x128xi32>
      %jit3A_658 = arith.constant 0.000000e+00 : f32
      %broadcast_in_dim3A_659 = vector.broadcast %reduce_sum3A_609 : f32 to vector<1x128xf32>
      %broadcast_in_dim3A_660 = vector.broadcast %jit3A_658 : f32 to vector<1x128xf32>
      %select_n3A_661 = arith.select %eq3A_657, %broadcast_in_dim3A_659, %broadcast_in_dim3A_660 : vector<1x128xi1>, vector<1x128xf32>
      %add3A_662 = arith.addf %add3A_654, %select_n3A_661 : vector<1x128xf32>
      %eq3A_663 = arith.constant 4 : i32
      %eq3A_664 = vector.broadcast %eq3A_663 : i32 to vector<1x128xi32>
      %eq3A_665 = arith.cmpi eq, %iota3A, %eq3A_664 : vector<1x128xi32>
      %jit3A_666 = arith.constant 0.000000e+00 : f32
      %broadcast_in_dim3A_667 = vector.broadcast %reduce_sum3A_614 : f32 to vector<1x128xf32>
      %broadcast_in_dim3A_668 = vector.broadcast %jit3A_666 : f32 to vector<1x128xf32>
      %select_n3A_669 = arith.select %eq3A_665, %broadcast_in_dim3A_667, %broadcast_in_dim3A_668 : vector<1x128xi1>, vector<1x128xf32>
      %add3A_670 = arith.addf %add3A_662, %select_n3A_669 : vector<1x128xf32>
      %eq3A_671 = arith.constant 5 : i32
      %eq3A_672 = vector.broadcast %eq3A_671 : i32 to vector<1x128xi32>
      %eq3A_673 = arith.cmpi eq, %iota3A, %eq3A_672 : vector<1x128xi32>
      %jit3A_674 = arith.constant 0.000000e+00 : f32
      %broadcast_in_dim3A_675 = vector.broadcast %reduce_sum3A_620 : f32 to vector<1x128xf32>
      %broadcast_in_dim3A_676 = vector.broadcast %jit3A_674 : f32 to vector<1x128xf32>
      %select_n3A_677 = arith.select %eq3A_673, %broadcast_in_dim3A_675, %broadcast_in_dim3A_676 : vector<1x128xi1>, vector<1x128xf32>
      %add3A_678 = arith.addf %add3A_670, %select_n3A_677 : vector<1x128xf32>
      %eq3A_679 = arith.constant 6 : i32
      %eq3A_680 = vector.broadcast %eq3A_679 : i32 to vector<1x128xi32>
      %eq3A_681 = arith.cmpi eq, %iota3A, %eq3A_680 : vector<1x128xi32>
      %jit3A_682 = arith.constant 0.000000e+00 : f32
      %broadcast_in_dim3A_683 = vector.broadcast %reduce_sum3A_625 : f32 to vector<1x128xf32>
      %broadcast_in_dim3A_684 = vector.broadcast %jit3A_682 : f32 to vector<1x128xf32>
      %select_n3A_685 = arith.select %eq3A_681, %broadcast_in_dim3A_683, %broadcast_in_dim3A_684 : vector<1x128xi1>, vector<1x128xf32>
      %add3A_686 = arith.addf %add3A_678, %select_n3A_685 : vector<1x128xf32>
      %eq3A_687 = arith.constant 7 : i32
      %eq3A_688 = vector.broadcast %eq3A_687 : i32 to vector<1x128xi32>
      %eq3A_689 = arith.cmpi eq, %iota3A, %eq3A_688 : vector<1x128xi32>
      %jit3A_690 = arith.constant 0.000000e+00 : f32
      %broadcast_in_dim3A_691 = vector.broadcast %reduce_sum3A_631 : f32 to vector<1x128xf32>
      %broadcast_in_dim3A_692 = vector.broadcast %jit3A_690 : f32 to vector<1x128xf32>
      %select_n3A_693 = arith.select %eq3A_689, %broadcast_in_dim3A_691, %broadcast_in_dim3A_692 : vector<1x128xi1>, vector<1x128xf32>
      %add3A_694 = arith.addf %add3A_686, %select_n3A_693 : vector<1x128xf32>
      %add3A_695 = arith.addf %add3A_343, %add3A_694 : vector<1x128xf32>
      %get3A_696 = arith.constant 2 : index
      %get3A_697 = arith.constant 0 : index
      %get3A_698 = arith.constant 0 : index
      %get3A_699 = vector.load %arg2[%get3A_696, %get3A_697, %get3A_698] : memref<4x8x2000xf32, #tpu.memory_space<vmem>>, vector<1x8x2000xf32>
      %get3A_700 = vector.shape_cast %get3A_699 : vector<1x8x2000xf32> to vector<8x2000xf32>
      %reduce_sum3A_701 = arith.constant dense<0.000000e+00> : vector<8xf32>
      %reduce_sum3A_702 = vector.multi_reduction <add>, %get3A_700, %reduce_sum3A_701 [1] : vector<8x2000xf32> to vector<8xf32>
      %broadcast_in_dim3A_703 = vector.shape_cast %reduce_sum3A_702 : vector<8xf32> to vector<8x1xf32>
      %mul3A_704 = arith.mulf %get3A_700, %get3A_700 : vector<8x2000xf32>
      %reduce_sum3A_705 = arith.constant dense<0.000000e+00> : vector<8xf32>
      %reduce_sum3A_706 = vector.multi_reduction <add>, %mul3A_704, %reduce_sum3A_705 [1] : vector<8x2000xf32> to vector<8xf32>
      %broadcast_in_dim3A_707 = vector.shape_cast %reduce_sum3A_706 : vector<8xf32> to vector<8x1xf32>
      %div3A_708 = arith.constant 2.000000e+03 : f32
      %div3A_709 = vector.broadcast %div3A_708 : f32 to vector<8x1xf32>
      %div3A_710 = arith.divf %broadcast_in_dim3A_703, %div3A_709 : vector<8x1xf32>
      %mul3A_711 = arith.mulf %broadcast_in_dim3A_703, %broadcast_in_dim3A_703 : vector<8x1xf32>
      %div3A_712 = arith.constant 2.000000e+03 : f32
      %div3A_713 = vector.broadcast %div3A_712 : f32 to vector<8x1xf32>
      %div3A_714 = arith.divf %mul3A_711, %div3A_713 : vector<8x1xf32>
      %sub3A_715 = arith.subf %broadcast_in_dim3A_707, %div3A_714 : vector<8x1xf32>
      %div3A_716 = arith.constant 1.999000e+03 : f32
      %div3A_717 = vector.broadcast %div3A_716 : f32 to vector<8x1xf32>
      %div3A_718 = arith.divf %sub3A_715, %div3A_717 : vector<8x1xf32>
      %sqrt3A_719 = math.sqrt %div3A_718 : vector<8x1xf32>
      %add3A_720 = arith.constant 9.99999974E-6 : f32
      %add3A_721 = vector.broadcast %add3A_720 : f32 to vector<8x1xf32>
      %add3A_722 = arith.addf %sqrt3A_719, %add3A_721 : vector<8x1xf32>
      %div3A_723 = arith.constant 1.000000e+00 : f32
      %div3A_724 = vector.broadcast %div3A_723 : f32 to vector<8x1xf32>
      %div3A_725 = arith.divf %div3A_724, %add3A_722 : vector<8x1xf32>
      %get3A_726 = arith.constant 2 : index
      %get3A_727 = arith.constant 0 : index
      %get3A_728 = arith.constant 0 : index
      %get3A_729 = vector.load %arg9[%get3A_726, %get3A_727, %get3A_728] : memref<4x1x200xi32, #tpu.memory_space<vmem>>, vector<1x1x200xi32>
      %get3A_730 = vector.shape_cast %get3A_729 : vector<1x1x200xi32> to vector<1x200xi32>
      %iota3A_731 = tpu.iota {dimensions = array<i32: 0>} : vector<2000x200xi32>
      %eq3A_732 = vector.broadcast %get3A_730 : vector<1x200xi32> to vector<2000x200xi32>
      %eq3A_733 = arith.cmpi eq, %iota3A_731, %eq3A_732 : vector<2000x200xi32>
      %convert_element_type3A_734 = arith.extui %eq3A_733 : vector<2000x200xi1> to vector<2000x200xi32>
      %convert_element_type3A_735 = arith.sitofp %convert_element_type3A_734 : vector<2000x200xi32> to vector<2000x200xf32>
      %dot_general3A_736 = arith.constant dense<0.000000e+00> : vector<8x200xf32>
      %dot_general3A_737 = tpu.matmul %get3A_700, %convert_element_type3A_735, %dot_general3A_736 {dimension_numbers = #tpu.dot_dimension_numbers<[1], [0], [0], [1], [0, 0, 1, 1], [], []>, transpose_lhs_hint = false} : vector<8x2000xf32>, vector<2000x200xf32>, vector<8x200xf32> -> vector<8x200xf32>
      %sub3A_738 = vector.broadcast %div3A_710 : vector<8x1xf32> to vector<8x200xf32>
      %sub3A_739 = arith.subf %dot_general3A_737, %sub3A_738 : vector<8x200xf32>
      %mul3A_740 = vector.broadcast %div3A_725 : vector<8x1xf32> to vector<8x200xf32>
      %mul3A_741 = arith.mulf %sub3A_739, %mul3A_740 : vector<8x200xf32>
      %get3A_742 = arith.constant 0 : index
      %get3A_743 = arith.constant 0 : index
      %get3A_744 = vector.load %arg11[%get3A_742, %get3A_743] : memref<128x8xf32, #tpu.memory_space<vmem>>, vector<128x8xf32>
      %dot_general3A_745 = arith.constant dense<0.000000e+00> : vector<200x128xf32>
      %dot_general3A_746 = tpu.matmul %mul3A_741, %get3A_744, %dot_general3A_745 {dimension_numbers = #tpu.dot_dimension_numbers<[0], [1], [1], [0], [0, 1, 1, 0], [], []>, transpose_lhs_hint = false} : vector<8x200xf32>, vector<128x8xf32>, vector<200x128xf32> -> vector<200x128xf32>
      %get3A_747 = arith.constant 0 : index
      %get3A_748 = arith.constant 0 : index
      %get3A_749 = vector.load %arg12[%get3A_747, %get3A_748] : memref<1x128xf32, #tpu.memory_space<vmem>>, vector<1x128xf32>
      %add3A_750 = vector.broadcast %get3A_749 : vector<1x128xf32> to vector<200x128xf32>
      %add3A_751 = arith.addf %dot_general3A_746, %add3A_750 : vector<200x128xf32>
      %swap3A_752 = arith.constant 2 : index
      %swap3A_753 = arith.constant 0 : index
      %swap3A_754 = arith.constant 0 : index
      %swap3A_755 = vector.load %arg17[%swap3A_752, %swap3A_753, %swap3A_754] : memref<4x200x128xf32, #tpu.memory_space<vmem>>, vector<1x200x128xf32>
      %swap3A_756 = vector.shape_cast %swap3A_755 : vector<1x200x128xf32> to vector<200x128xf32>
      %swap3A_757 = vector.shape_cast %add3A_751 : vector<200x128xf32> to vector<1x200x128xf32>
      tpu.vector_store %arg17[%swap3A_752, %swap3A_753, %swap3A_754], %swap3A_757 {strides = array<i32>} : memref<4x200x128xf32, #tpu.memory_space<vmem>>, vector<1x200x128xf32>,
      %get3A_758 = arith.constant 2 : index
      %get3A_759 = arith.constant 0 : index
      %get3A_760 = arith.constant 0 : index
      %get3A_761 = vector.load %arg3[%get3A_758, %get3A_759, %get3A_760] : memref<4x6x64xf32, #tpu.memory_space<vmem>>, vector<1x6x64xf32>
      %get3A_762 = vector.shape_cast %get3A_761 : vector<1x6x64xf32> to vector<6x64xf32>
      %reduce_sum3A_763 = arith.constant dense<0.000000e+00> : vector<6xf32>
      %reduce_sum3A_764 = vector.multi_reduction <add>, %get3A_762, %reduce_sum3A_763 [1] : vector<6x64xf32> to vector<6xf32>
      %broadcast_in_dim3A_765 = vector.shape_cast %reduce_sum3A_764 : vector<6xf32> to vector<6x1xf32>
      %mul3A_766 = arith.mulf %get3A_762, %get3A_762 : vector<6x64xf32>
      %reduce_sum3A_767 = arith.constant dense<0.000000e+00> : vector<6xf32>
      %reduce_sum3A_768 = vector.multi_reduction <add>, %mul3A_766, %reduce_sum3A_767 [1] : vector<6x64xf32> to vector<6xf32>
      %broadcast_in_dim3A_769 = vector.shape_cast %reduce_sum3A_768 : vector<6xf32> to vector<6x1xf32>
      %div3A_770 = arith.constant 6.400000e+01 : f32
      %div3A_771 = vector.broadcast %div3A_770 : f32 to vector<6x1xf32>
      %div3A_772 = arith.divf %broadcast_in_dim3A_765, %div3A_771 : vector<6x1xf32>
      %mul3A_773 = arith.mulf %broadcast_in_dim3A_765, %broadcast_in_dim3A_765 : vector<6x1xf32>
      %div3A_774 = arith.constant 6.400000e+01 : f32
      %div3A_775 = vector.broadcast %div3A_774 : f32 to vector<6x1xf32>
      %div3A_776 = arith.divf %mul3A_773, %div3A_775 : vector<6x1xf32>
      %sub3A_777 = arith.subf %broadcast_in_dim3A_769, %div3A_776 : vector<6x1xf32>
      %div3A_778 = arith.constant 6.300000e+01 : f32
      %div3A_779 = vector.broadcast %div3A_778 : f32 to vector<6x1xf32>
      %div3A_780 = arith.divf %sub3A_777, %div3A_779 : vector<6x1xf32>
      %sqrt3A_781 = math.sqrt %div3A_780 : vector<6x1xf32>
      %add3A_782 = arith.constant 9.99999974E-6 : f32
      %add3A_783 = vector.broadcast %add3A_782 : f32 to vector<6x1xf32>
      %add3A_784 = arith.addf %sqrt3A_781, %add3A_783 : vector<6x1xf32>
      %div3A_785 = arith.constant 1.000000e+00 : f32
      %div3A_786 = vector.broadcast %div3A_785 : f32 to vector<6x1xf32>
      %div3A_787 = arith.divf %div3A_786, %add3A_784 : vector<6x1xf32>
      %sub3A_788 = vector.broadcast %div3A_772 : vector<6x1xf32> to vector<6x64xf32>
      %sub3A_789 = arith.subf %get3A_762, %sub3A_788 : vector<6x64xf32>
      %mul3A_790 = vector.broadcast %div3A_787 : vector<6x1xf32> to vector<6x64xf32>
      %mul3A_791 = arith.mulf %sub3A_789, %mul3A_790 : vector<6x64xf32>
      %get3A_792 = arith.constant 0 : index
      %get3A_793 = arith.constant 0 : index
      %get3A_794 = vector.load %arg13[%get3A_792, %get3A_793] : memref<128x6xf32, #tpu.memory_space<vmem>>, vector<128x6xf32>
      %dot_general3A_795 = arith.constant dense<0.000000e+00> : vector<64x128xf32>
      %dot_general3A_796 = tpu.matmul %mul3A_791, %get3A_794, %dot_general3A_795 {dimension_numbers = #tpu.dot_dimension_numbers<[0], [1], [1], [0], [0, 1, 1, 0], [], []>, transpose_lhs_hint = false} : vector<6x64xf32>, vector<128x6xf32>, vector<64x128xf32> -> vector<64x128xf32>
      %get3A_797 = arith.constant 0 : index
      %get3A_798 = arith.constant 0 : index
      %get3A_799 = vector.load %arg14[%get3A_797, %get3A_798] : memref<1x128xf32, #tpu.memory_space<vmem>>, vector<1x128xf32>
      %add3A_800 = vector.broadcast %get3A_799 : vector<1x128xf32> to vector<64x128xf32>
      %add3A_801 = arith.addf %dot_general3A_796, %add3A_800 : vector<64x128xf32>
      %swap3A_802 = arith.constant 2 : index
      %swap3A_803 = arith.constant 0 : index
      %swap3A_804 = arith.constant 0 : index
      %swap3A_805 = vector.load %arg18[%swap3A_802, %swap3A_803, %swap3A_804] : memref<4x64x128xf32, #tpu.memory_space<vmem>>, vector<1x64x128xf32>
      %swap3A_806 = vector.shape_cast %swap3A_805 : vector<1x64x128xf32> to vector<64x128xf32>
      %swap3A_807 = vector.shape_cast %add3A_801 : vector<64x128xf32> to vector<1x64x128xf32>
      tpu.vector_store %arg18[%swap3A_802, %swap3A_803, %swap3A_804], %swap3A_807 {strides = array<i32>} : memref<4x64x128xf32, #tpu.memory_space<vmem>>, vector<1x64x128xf32>,
      %get3A_808 = arith.constant 2 : index
      %get3A_809 = arith.constant 0 : index
      %get3A_810 = arith.constant 0 : index
      %get3A_811 = vector.load %arg4[%get3A_808, %get3A_809, %get3A_810] : memref<4x5x32xf32, #tpu.memory_space<vmem>>, vector<1x5x32xf32>
      %get3A_812 = vector.shape_cast %get3A_811 : vector<1x5x32xf32> to vector<5x32xf32>
      %reduce_sum3A_813 = arith.constant dense<0.000000e+00> : vector<5xf32>
      %reduce_sum3A_814 = vector.multi_reduction <add>, %get3A_812, %reduce_sum3A_813 [1] : vector<5x32xf32> to vector<5xf32>
      %broadcast_in_dim3A_815 = vector.shape_cast %reduce_sum3A_814 : vector<5xf32> to vector<5x1xf32>
      %mul3A_816 = arith.mulf %get3A_812, %get3A_812 : vector<5x32xf32>
      %reduce_sum3A_817 = arith.constant dense<0.000000e+00> : vector<5xf32>
      %reduce_sum3A_818 = vector.multi_reduction <add>, %mul3A_816, %reduce_sum3A_817 [1] : vector<5x32xf32> to vector<5xf32>
      %broadcast_in_dim3A_819 = vector.shape_cast %reduce_sum3A_818 : vector<5xf32> to vector<5x1xf32>
      %div3A_820 = arith.constant 3.200000e+01 : f32
      %div3A_821 = vector.broadcast %div3A_820 : f32 to vector<5x1xf32>
      %div3A_822 = arith.divf %broadcast_in_dim3A_815, %div3A_821 : vector<5x1xf32>
      %mul3A_823 = arith.mulf %broadcast_in_dim3A_815, %broadcast_in_dim3A_815 : vector<5x1xf32>
      %div3A_824 = arith.constant 3.200000e+01 : f32
      %div3A_825 = vector.broadcast %div3A_824 : f32 to vector<5x1xf32>
      %div3A_826 = arith.divf %mul3A_823, %div3A_825 : vector<5x1xf32>
      %sub3A_827 = arith.subf %broadcast_in_dim3A_819, %div3A_826 : vector<5x1xf32>
      %div3A_828 = arith.constant 3.100000e+01 : f32
      %div3A_829 = vector.broadcast %div3A_828 : f32 to vector<5x1xf32>
      %div3A_830 = arith.divf %sub3A_827, %div3A_829 : vector<5x1xf32>
      %sqrt3A_831 = math.sqrt %div3A_830 : vector<5x1xf32>
      %add3A_832 = arith.constant 9.99999974E-6 : f32
      %add3A_833 = vector.broadcast %add3A_832 : f32 to vector<5x1xf32>
      %add3A_834 = arith.addf %sqrt3A_831, %add3A_833 : vector<5x1xf32>
      %div3A_835 = arith.constant 1.000000e+00 : f32
      %div3A_836 = vector.broadcast %div3A_835 : f32 to vector<5x1xf32>
      %div3A_837 = arith.divf %div3A_836, %add3A_834 : vector<5x1xf32>
      %sub3A_838 = vector.broadcast %div3A_822 : vector<5x1xf32> to vector<5x32xf32>
      %sub3A_839 = arith.subf %get3A_812, %sub3A_838 : vector<5x32xf32>
      %mul3A_840 = vector.broadcast %div3A_837 : vector<5x1xf32> to vector<5x32xf32>
      %mul3A_841 = arith.mulf %sub3A_839, %mul3A_840 : vector<5x32xf32>
      %get3A_842 = arith.constant 0 : index
      %get3A_843 = arith.constant 0 : index
      %get3A_844 = vector.load %arg15[%get3A_842, %get3A_843] : memref<128x5xf32, #tpu.memory_space<vmem>>, vector<128x5xf32>
      %dot_general3A_845 = arith.constant dense<0.000000e+00> : vector<32x128xf32>
      %dot_general3A_846 = tpu.matmul %mul3A_841, %get3A_844, %dot_general3A_845 {dimension_numbers = #tpu.dot_dimension_numbers<[0], [1], [1], [0], [0, 1, 1, 0], [], []>, transpose_lhs_hint = false} : vector<5x32xf32>, vector<128x5xf32>, vector<32x128xf32> -> vector<32x128xf32>
      %get3A_847 = arith.constant 0 : index
      %get3A_848 = arith.constant 0 : index
      %get3A_849 = vector.load %arg16[%get3A_847, %get3A_848] : memref<1x128xf32, #tpu.memory_space<vmem>>, vector<1x128xf32>
      %add3A_850 = vector.broadcast %get3A_849 : vector<1x128xf32> to vector<32x128xf32>
      %add3A_851 = arith.addf %dot_general3A_846, %add3A_850 : vector<32x128xf32>
      %swap3A_852 = arith.constant 2 : index
      %swap3A_853 = arith.constant 0 : index
      %swap3A_854 = arith.constant 0 : index
      %swap3A_855 = vector.load %arg19[%swap3A_852, %swap3A_853, %swap3A_854] : memref<4x32x128xf32, #tpu.memory_space<vmem>>, vector<1x32x128xf32>
      %swap3A_856 = vector.shape_cast %swap3A_855 : vector<1x32x128xf32> to vector<32x128xf32>
      %swap3A_857 = vector.shape_cast %add3A_851 : vector<32x128xf32> to vector<1x32x128xf32>
      tpu.vector_store %arg19[%swap3A_852, %swap3A_853, %swap3A_854], %swap3A_857 {strides = array<i32>} : memref<4x32x128xf32, #tpu.memory_space<vmem>>, vector<1x32x128xf32>,
      %get3A_858 = arith.constant 2 : index
      %get3A_859 = arith.constant 0 : index
      %get3A_860 = arith.constant 0 : index
      %get3A_861 = vector.load %arg7[%get3A_858, %get3A_859, %get3A_860] : memref<4x32x128xf32, #tpu.memory_space<vmem>>, vector<1x32x128xf32>
      %get3A_862 = vector.shape_cast %get3A_861 : vector<1x32x128xf32> to vector<32x128xf32>
      %get3A_863 = arith.constant 2 : index
      %get3A_864 = arith.constant 0 : index
      %get3A_865 = arith.constant 0 : index
      %get3A_866 = vector.load %arg8[%get3A_863, %get3A_864, %get3A_865] : memref<4x32x1xf32, #tpu.memory_space<vmem>>, vector<1x32x1xf32>
      %get3A_867 = vector.shape_cast %get3A_866 : vector<1x32x1xf32> to vector<32x1xf32>
      %gt3A_868 = arith.constant 5.000000e-01 : f32
      %gt3A_869 = vector.broadcast %gt3A_868 : f32 to vector<32x1xf32>
      %gt3A_870 = arith.cmpf ogt, %get3A_867, %gt3A_869 : vector<32x1xf32>
      %slice3A_871 = vector.extract_strided_slice %get3A_862 {offsets = [0, 64], sizes = [32, 64], strides = [1, 1]} : vector<32x128xf32> to vector<32x64xf32>
      %slice3A_872 = vector.extract_strided_slice %get3A_862 {offsets = [0, 0], sizes = [32, 64], strides = [1, 1]} : vector<32x128xf32> to vector<32x64xf32>
      %broadcast_in_dim3A_873 = vector.shape_cast %gt3A_870 : vector<32x1xi1> to vector<32x1xi1>
      %broadcast_in_dim3A_874 = vector.broadcast %broadcast_in_dim3A_873 : vector<32x1xi1> to vector<32x64xi1>
      %select_n3A_875 = arith.select %broadcast_in_dim3A_874, %slice3A_871, %slice3A_872 : vector<32x64xi1>, vector<32x64xf32>
      %get3A_876 = arith.constant 2 : index
      %get3A_877 = arith.constant 0 : index
      %get3A_878 = arith.constant 0 : index
      %get3A_879 = vector.load %arg10[%get3A_876, %get3A_877, %get3A_878] : memref<4x1x200xi32, #tpu.memory_space<vmem>>, vector<1x1x200xi32>
      %get3A_880 = vector.shape_cast %get3A_879 : vector<1x1x200xi32> to vector<1x200xi32>
      %iota3A_881 = tpu.iota {dimensions = array<i32: 0>} : vector<64x200xi32>
      %eq3A_882 = vector.broadcast %get3A_880 : vector<1x200xi32> to vector<64x200xi32>
      %eq3A_883 = arith.cmpi eq, %iota3A_881, %eq3A_882 : vector<64x200xi32>
      %convert_element_type3A_884 = arith.extui %eq3A_883 : vector<64x200xi1> to vector<64x200xi32>
      %convert_element_type3A_885 = arith.sitofp %convert_element_type3A_884 : vector<64x200xi32> to vector<64x200xf32>
      %dot_general3A_886 = arith.constant dense<0.000000e+00> : vector<32x200xf32>
      %dot_general3A_887 = tpu.matmul %select_n3A_875, %convert_element_type3A_885, %dot_general3A_886 {dimension_numbers = #tpu.dot_dimension_numbers<[1], [0], [0], [1], [0, 0, 1, 1], [], []>, transpose_lhs_hint = false} : vector<32x64xf32>, vector<64x200xf32>, vector<32x200xf32> -> vector<32x200xf32>
      %get3A_888 = arith.constant 2 : index
      %get3A_889 = arith.constant 0 : index
      %get3A_890 = arith.constant 0 : index
      %get3A_891 = vector.load %arg5[%get3A_888, %get3A_889, %get3A_890] : memref<4x64x2000xf32, #tpu.memory_space<vmem>>, vector<1x64x2000xf32>
      %get3A_892 = vector.shape_cast %get3A_891 : vector<1x64x2000xf32> to vector<64x2000xf32>
      %dot_general3A_893 = arith.constant dense<0.000000e+00> : vector<64x200xf32>
      %dot_general3A_894 = tpu.matmul %get3A_892, %convert_element_type3A_735, %dot_general3A_893 {dimension_numbers = #tpu.dot_dimension_numbers<[1], [0], [0], [1], [0, 0, 1, 1], [], []>, transpose_lhs_hint = false} : vector<64x2000xf32>, vector<2000x200xf32>, vector<64x200xf32> -> vector<64x200xf32>
      %get3A_895 = arith.constant 2 : index
      %get3A_896 = arith.constant 0 : index
      %get3A_897 = arith.constant 0 : index
      %get3A_898 = vector.load %arg6[%get3A_895, %get3A_896, %get3A_897] : memref<4x64x64xf32, #tpu.memory_space<vmem>>, vector<1x64x64xf32>
      %get3A_899 = vector.shape_cast %get3A_898 : vector<1x64x64xf32> to vector<64x64xf32>
      %mul3A_900 = arith.constant 4 : i32
      %mul3A_901 = arith.muli %mul3A_900, %arg1 : i32
      %add3A_902 = arith.constant 2 : i32
      %add3A_903 = arith.addi %mul3A_901, %add3A_902 : i32
      %swap3A_904 = arith.index_cast %add3A_903 : i32 to index
      %swap3A_905 = arith.constant 0 : index
      %swap3A_906 = arith.constant 0 : index
      %swap3A_907 = vector.load %arg24[%swap3A_904, %swap3A_905, %swap3A_906] : memref<64x64x200xf32, #tpu.memory_space<vmem>>, vector<1x64x200xf32>
      %swap3A_908 = vector.shape_cast %swap3A_907 : vector<1x64x200xf32> to vector<64x200xf32>
      %swap3A_909 = vector.shape_cast %dot_general3A_894 : vector<64x200xf32> to vector<1x64x200xf32>
      tpu.vector_store %arg24[%swap3A_904, %swap3A_905, %swap3A_906], %swap3A_909 {strides = array<i32>} : memref<64x64x200xf32, #tpu.memory_space<vmem>>, vector<1x64x200xf32>,
      %mul3A_910 = arith.constant 4 : i32
      %mul3A_911 = arith.muli %mul3A_910, %arg1 : i32
      %add3A_912 = arith.constant 2 : i32
      %add3A_913 = arith.addi %mul3A_911, %add3A_912 : i32
      %swap3A_914 = arith.index_cast %add3A_913 : i32 to index
      %swap3A_915 = arith.constant 0 : index
      %swap3A_916 = arith.constant 0 : index
      %swap3A_917 = vector.load %arg25[%swap3A_914, %swap3A_915, %swap3A_916] : memref<64x32x200xf32, #tpu.memory_space<vmem>>, vector<1x32x200xf32>
      %swap3A_918 = vector.shape_cast %swap3A_917 : vector<1x32x200xf32> to vector<32x200xf32>
      %swap3A_919 = vector.shape_cast %dot_general3A_887 : vector<32x200xf32> to vector<1x32x200xf32>
      tpu.vector_store %arg25[%swap3A_914, %swap3A_915, %swap3A_916], %swap3A_919 {strides = array<i32>} : memref<64x32x200xf32, #tpu.memory_space<vmem>>, vector<1x32x200xf32>,
      %mul3A_920 = arith.constant 4 : i32
      %mul3A_921 = arith.muli %mul3A_920, %arg1 : i32
      %add3A_922 = arith.constant 2 : i32
      %add3A_923 = arith.addi %mul3A_921, %add3A_922 : i32
      %swap3A_924 = arith.index_cast %add3A_923 : i32 to index
      %swap3A_925 = arith.constant 0 : index
      %swap3A_926 = arith.constant 0 : index
      %swap3A_927 = vector.load %arg26[%swap3A_924, %swap3A_925, %swap3A_926] : memref<64x32x64xf32, #tpu.memory_space<vmem>>, vector<1x32x64xf32>
      %swap3A_928 = vector.shape_cast %swap3A_927 : vector<1x32x64xf32> to vector<32x64xf32>
      %swap3A_929 = vector.shape_cast %select_n3A_875 : vector<32x64xf32> to vector<1x32x64xf32>
      tpu.vector_store %arg26[%swap3A_924, %swap3A_925, %swap3A_926], %swap3A_929 {strides = array<i32>} : memref<64x32x64xf32, #tpu.memory_space<vmem>>, vector<1x32x64xf32>,
      %mul3A_930 = arith.constant 4 : i32
      %mul3A_931 = arith.muli %mul3A_930, %arg1 : i32
      %add3A_932 = arith.constant 2 : i32
      %add3A_933 = arith.addi %mul3A_931, %add3A_932 : i32
      %swap3A_934 = arith.index_cast %add3A_933 : i32 to index
      %swap3A_935 = arith.constant 0 : index
      %swap3A_936 = arith.constant 0 : index
      %swap3A_937 = vector.load %arg27[%swap3A_934, %swap3A_935, %swap3A_936] : memref<64x64x64xf32, #tpu.memory_space<vmem>>, vector<1x64x64xf32>
      %swap3A_938 = vector.shape_cast %swap3A_937 : vector<1x64x64xf32> to vector<64x64xf32>
      %swap3A_939 = vector.shape_cast %get3A_899 : vector<64x64xf32> to vector<1x64x64xf32>
      tpu.vector_store %arg27[%swap3A_934, %swap3A_935, %swap3A_936], %swap3A_939 {strides = array<i32>} : memref<64x64x64xf32, #tpu.memory_space<vmem>>, vector<1x64x64xf32>,
      %reduce_sum3A_940 = vector.shape_cast %get3A_892 : vector<64x2000xf32> to vector<1x64x2000xf32>
      %reduce_sum3A_941 = arith.constant dense<0.000000e+00> : vector<1xf32>
      %reduce_sum3A_942 = vector.multi_reduction <add>, %reduce_sum3A_940, %reduce_sum3A_941 [1, 2] : vector<1x64x2000xf32> to vector<1xf32>
      %reduce_sum3A_943 = vector.shape_cast %reduce_sum3A_942 : vector<1xf32> to vector<1x1x1xf32>
      %reduce_sum3A_944 = vector.extract %reduce_sum3A_943[0, 0, 0] : f32 from vector<1x1x1xf32>
      %mul3A_945 = arith.mulf %get3A_892, %get3A_892 : vector<64x2000xf32>
      %reduce_sum3A_946 = vector.shape_cast %mul3A_945 : vector<64x2000xf32> to vector<1x64x2000xf32>
      %reduce_sum3A_947 = arith.constant dense<0.000000e+00> : vector<1xf32>
      %reduce_sum3A_948 = vector.multi_reduction <add>, %reduce_sum3A_946, %reduce_sum3A_947 [1, 2] : vector<1x64x2000xf32> to vector<1xf32>
      %reduce_sum3A_949 = vector.shape_cast %reduce_sum3A_948 : vector<1xf32> to vector<1x1x1xf32>
      %reduce_sum3A_950 = vector.extract %reduce_sum3A_949[0, 0, 0] : f32 from vector<1x1x1xf32>
      %reduce_sum3A_951 = vector.shape_cast %get3A_899 : vector<64x64xf32> to vector<1x64x64xf32>
      %reduce_sum3A_952 = arith.constant dense<0.000000e+00> : vector<1xf32>
      %reduce_sum3A_953 = vector.multi_reduction <add>, %reduce_sum3A_951, %reduce_sum3A_952 [1, 2] : vector<1x64x64xf32> to vector<1xf32>
      %reduce_sum3A_954 = vector.shape_cast %reduce_sum3A_953 : vector<1xf32> to vector<1x1x1xf32>
      %reduce_sum3A_955 = vector.extract %reduce_sum3A_954[0, 0, 0] : f32 from vector<1x1x1xf32>
      %mul3A_956 = arith.mulf %get3A_899, %get3A_899 : vector<64x64xf32>
      %reduce_sum3A_957 = vector.shape_cast %mul3A_956 : vector<64x64xf32> to vector<1x64x64xf32>
      %reduce_sum3A_958 = arith.constant dense<0.000000e+00> : vector<1xf32>
      %reduce_sum3A_959 = vector.multi_reduction <add>, %reduce_sum3A_957, %reduce_sum3A_958 [1, 2] : vector<1x64x64xf32> to vector<1xf32>
      %reduce_sum3A_960 = vector.shape_cast %reduce_sum3A_959 : vector<1xf32> to vector<1x1x1xf32>
      %reduce_sum3A_961 = vector.extract %reduce_sum3A_960[0, 0, 0] : f32 from vector<1x1x1xf32>
      %reduce_sum3A_962 = vector.shape_cast %select_n3A_875 : vector<32x64xf32> to vector<1x32x64xf32>
      %reduce_sum3A_963 = arith.constant dense<0.000000e+00> : vector<1xf32>
      %reduce_sum3A_964 = vector.multi_reduction <add>, %reduce_sum3A_962, %reduce_sum3A_963 [1, 2] : vector<1x32x64xf32> to vector<1xf32>
      %reduce_sum3A_965 = vector.shape_cast %reduce_sum3A_964 : vector<1xf32> to vector<1x1x1xf32>
      %reduce_sum3A_966 = vector.extract %reduce_sum3A_965[0, 0, 0] : f32 from vector<1x1x1xf32>
      %mul3A_967 = arith.mulf %select_n3A_875, %select_n3A_875 : vector<32x64xf32>
      %reduce_sum3A_968 = vector.shape_cast %mul3A_967 : vector<32x64xf32> to vector<1x32x64xf32>
      %reduce_sum3A_969 = arith.constant dense<0.000000e+00> : vector<1xf32>
      %reduce_sum3A_970 = vector.multi_reduction <add>, %reduce_sum3A_968, %reduce_sum3A_969 [1, 2] : vector<1x32x64xf32> to vector<1xf32>
      %reduce_sum3A_971 = vector.shape_cast %reduce_sum3A_970 : vector<1xf32> to vector<1x1x1xf32>
      %reduce_sum3A_972 = vector.extract %reduce_sum3A_971[0, 0, 0] : f32 from vector<1x1x1xf32>
      %reduce_sum3A_973 = vector.shape_cast %dot_general3A_887 : vector<32x200xf32> to vector<1x32x200xf32>
      %reduce_sum3A_974 = arith.constant dense<0.000000e+00> : vector<1xf32>
      %reduce_sum3A_975 = vector.multi_reduction <add>, %reduce_sum3A_973, %reduce_sum3A_974 [1, 2] : vector<1x32x200xf32> to vector<1xf32>
      %reduce_sum3A_976 = vector.shape_cast %reduce_sum3A_975 : vector<1xf32> to vector<1x1x1xf32>
      %reduce_sum3A_977 = vector.extract %reduce_sum3A_976[0, 0, 0] : f32 from vector<1x1x1xf32>
      %mul3A_978 = arith.mulf %dot_general3A_887, %dot_general3A_887 : vector<32x200xf32>
      %reduce_sum3A_979 = vector.shape_cast %mul3A_978 : vector<32x200xf32> to vector<1x32x200xf32>
      %reduce_sum3A_980 = arith.constant dense<0.000000e+00> : vector<1xf32>
      %reduce_sum3A_981 = vector.multi_reduction <add>, %reduce_sum3A_979, %reduce_sum3A_980 [1, 2] : vector<1x32x200xf32> to vector<1xf32>
      %reduce_sum3A_982 = vector.shape_cast %reduce_sum3A_981 : vector<1xf32> to vector<1x1x1xf32>
      %reduce_sum3A_983 = vector.extract %reduce_sum3A_982[0, 0, 0] : f32 from vector<1x1x1xf32>
      %eq3A_984 = arith.constant 0 : i32
      %eq3A_985 = vector.broadcast %eq3A_984 : i32 to vector<1x128xi32>
      %eq3A_986 = arith.cmpi eq, %iota3A, %eq3A_985 : vector<1x128xi32>
      %jit3A_987 = arith.constant 0.000000e+00 : f32
      %broadcast_in_dim3A_988 = vector.broadcast %reduce_sum3A_944 : f32 to vector<1x128xf32>
      %broadcast_in_dim3A_989 = vector.broadcast %jit3A_987 : f32 to vector<1x128xf32>
      %select_n3A_990 = arith.select %eq3A_986, %broadcast_in_dim3A_988, %broadcast_in_dim3A_989 : vector<1x128xi1>, vector<1x128xf32>
      %eq3A_991 = arith.constant 1 : i32
      %eq3A_992 = vector.broadcast %eq3A_991 : i32 to vector<1x128xi32>
      %eq3A_993 = arith.cmpi eq, %iota3A, %eq3A_992 : vector<1x128xi32>
      %jit3A_994 = arith.constant 0.000000e+00 : f32
      %broadcast_in_dim3A_995 = vector.broadcast %reduce_sum3A_950 : f32 to vector<1x128xf32>
      %broadcast_in_dim3A_996 = vector.broadcast %jit3A_994 : f32 to vector<1x128xf32>
      %select_n3A_997 = arith.select %eq3A_993, %broadcast_in_dim3A_995, %broadcast_in_dim3A_996 : vector<1x128xi1>, vector<1x128xf32>
      %add3A_998 = arith.addf %select_n3A_990, %select_n3A_997 : vector<1x128xf32>
      %eq3A_999 = arith.constant 2 : i32
      %eq3A_1000 = vector.broadcast %eq3A_999 : i32 to vector<1x128xi32>
      %eq3A_1001 = arith.cmpi eq, %iota3A, %eq3A_1000 : vector<1x128xi32>
      %jit3A_1002 = arith.constant 0.000000e+00 : f32
      %broadcast_in_dim3A_1003 = vector.broadcast %reduce_sum3A_955 : f32 to vector<1x128xf32>
      %broadcast_in_dim3A_1004 = vector.broadcast %jit3A_1002 : f32 to vector<1x128xf32>
      %select_n3A_1005 = arith.select %eq3A_1001, %broadcast_in_dim3A_1003, %broadcast_in_dim3A_1004 : vector<1x128xi1>, vector<1x128xf32>
      %add3A_1006 = arith.addf %add3A_998, %select_n3A_1005 : vector<1x128xf32>
      %eq3A_1007 = arith.constant 3 : i32
      %eq3A_1008 = vector.broadcast %eq3A_1007 : i32 to vector<1x128xi32>
      %eq3A_1009 = arith.cmpi eq, %iota3A, %eq3A_1008 : vector<1x128xi32>
      %jit3A_1010 = arith.constant 0.000000e+00 : f32
      %broadcast_in_dim3A_1011 = vector.broadcast %reduce_sum3A_961 : f32 to vector<1x128xf32>
      %broadcast_in_dim3A_1012 = vector.broadcast %jit3A_1010 : f32 to vector<1x128xf32>
      %select_n3A_1013 = arith.select %eq3A_1009, %broadcast_in_dim3A_1011, %broadcast_in_dim3A_1012 : vector<1x128xi1>, vector<1x128xf32>
      %add3A_1014 = arith.addf %add3A_1006, %select_n3A_1013 : vector<1x128xf32>
      %eq3A_1015 = arith.constant 4 : i32
      %eq3A_1016 = vector.broadcast %eq3A_1015 : i32 to vector<1x128xi32>
      %eq3A_1017 = arith.cmpi eq, %iota3A, %eq3A_1016 : vector<1x128xi32>
      %jit3A_1018 = arith.constant 0.000000e+00 : f32
      %broadcast_in_dim3A_1019 = vector.broadcast %reduce_sum3A_966 : f32 to vector<1x128xf32>
      %broadcast_in_dim3A_1020 = vector.broadcast %jit3A_1018 : f32 to vector<1x128xf32>
      %select_n3A_1021 = arith.select %eq3A_1017, %broadcast_in_dim3A_1019, %broadcast_in_dim3A_1020 : vector<1x128xi1>, vector<1x128xf32>
      %add3A_1022 = arith.addf %add3A_1014, %select_n3A_1021 : vector<1x128xf32>
      %eq3A_1023 = arith.constant 5 : i32
      %eq3A_1024 = vector.broadcast %eq3A_1023 : i32 to vector<1x128xi32>
      %eq3A_1025 = arith.cmpi eq, %iota3A, %eq3A_1024 : vector<1x128xi32>
      %jit3A_1026 = arith.constant 0.000000e+00 : f32
      %broadcast_in_dim3A_1027 = vector.broadcast %reduce_sum3A_972 : f32 to vector<1x128xf32>
      %broadcast_in_dim3A_1028 = vector.broadcast %jit3A_1026 : f32 to vector<1x128xf32>
      %select_n3A_1029 = arith.select %eq3A_1025, %broadcast_in_dim3A_1027, %broadcast_in_dim3A_1028 : vector<1x128xi1>, vector<1x128xf32>
      %add3A_1030 = arith.addf %add3A_1022, %select_n3A_1029 : vector<1x128xf32>
      %eq3A_1031 = arith.constant 6 : i32
      %eq3A_1032 = vector.broadcast %eq3A_1031 : i32 to vector<1x128xi32>
      %eq3A_1033 = arith.cmpi eq, %iota3A, %eq3A_1032 : vector<1x128xi32>
      %jit3A_1034 = arith.constant 0.000000e+00 : f32
      %broadcast_in_dim3A_1035 = vector.broadcast %reduce_sum3A_977 : f32 to vector<1x128xf32>
      %broadcast_in_dim3A_1036 = vector.broadcast %jit3A_1034 : f32 to vector<1x128xf32>
      %select_n3A_1037 = arith.select %eq3A_1033, %broadcast_in_dim3A_1035, %broadcast_in_dim3A_1036 : vector<1x128xi1>, vector<1x128xf32>
      %add3A_1038 = arith.addf %add3A_1030, %select_n3A_1037 : vector<1x128xf32>
      %eq3A_1039 = arith.constant 7 : i32
      %eq3A_1040 = vector.broadcast %eq3A_1039 : i32 to vector<1x128xi32>
      %eq3A_1041 = arith.cmpi eq, %iota3A, %eq3A_1040 : vector<1x128xi32>
      %jit3A_1042 = arith.constant 0.000000e+00 : f32
      %broadcast_in_dim3A_1043 = vector.broadcast %reduce_sum3A_983 : f32 to vector<1x128xf32>
      %broadcast_in_dim3A_1044 = vector.broadcast %jit3A_1042 : f32 to vector<1x128xf32>
      %select_n3A_1045 = arith.select %eq3A_1041, %broadcast_in_dim3A_1043, %broadcast_in_dim3A_1044 : vector<1x128xi1>, vector<1x128xf32>
      %add3A_1046 = arith.addf %add3A_1038, %select_n3A_1045 : vector<1x128xf32>
      %add3A_1047 = arith.addf %add3A_695, %add3A_1046 : vector<1x128xf32>
      %get3A_1048 = arith.constant 3 : index
      %get3A_1049 = arith.constant 0 : index
      %get3A_1050 = arith.constant 0 : index
      %get3A_1051 = vector.load %arg2[%get3A_1048, %get3A_1049, %get3A_1050] : memref<4x8x2000xf32, #tpu.memory_space<vmem>>, vector<1x8x2000xf32>
      %get3A_1052 = vector.shape_cast %get3A_1051 : vector<1x8x2000xf32> to vector<8x2000xf32>
      %reduce_sum3A_1053 = arith.constant dense<0.000000e+00> : vector<8xf32>
      %reduce_sum3A_1054 = vector.multi_reduction <add>, %get3A_1052, %reduce_sum3A_1053 [1] : vector<8x2000xf32> to vector<8xf32>
      %broadcast_in_dim3A_1055 = vector.shape_cast %reduce_sum3A_1054 : vector<8xf32> to vector<8x1xf32>
      %mul3A_1056 = arith.mulf %get3A_1052, %get3A_1052 : vector<8x2000xf32>
      %reduce_sum3A_1057 = arith.constant dense<0.000000e+00> : vector<8xf32>
      %reduce_sum3A_1058 = vector.multi_reduction <add>, %mul3A_1056, %reduce_sum3A_1057 [1] : vector<8x2000xf32> to vector<8xf32>
      %broadcast_in_dim3A_1059 = vector.shape_cast %reduce_sum3A_1058 : vector<8xf32> to vector<8x1xf32>
      %div3A_1060 = arith.constant 2.000000e+03 : f32
      %div3A_1061 = vector.broadcast %div3A_1060 : f32 to vector<8x1xf32>
      %div3A_1062 = arith.divf %broadcast_in_dim3A_1055, %div3A_1061 : vector<8x1xf32>
      %mul3A_1063 = arith.mulf %broadcast_in_dim3A_1055, %broadcast_in_dim3A_1055 : vector<8x1xf32>
      %div3A_1064 = arith.constant 2.000000e+03 : f32
      %div3A_1065 = vector.broadcast %div3A_1064 : f32 to vector<8x1xf32>
      %div3A_1066 = arith.divf %mul3A_1063, %div3A_1065 : vector<8x1xf32>
      %sub3A_1067 = arith.subf %broadcast_in_dim3A_1059, %div3A_1066 : vector<8x1xf32>
      %div3A_1068 = arith.constant 1.999000e+03 : f32
      %div3A_1069 = vector.broadcast %div3A_1068 : f32 to vector<8x1xf32>
      %div3A_1070 = arith.divf %sub3A_1067, %div3A_1069 : vector<8x1xf32>
      %sqrt3A_1071 = math.sqrt %div3A_1070 : vector<8x1xf32>
      %add3A_1072 = arith.constant 9.99999974E-6 : f32
      %add3A_1073 = vector.broadcast %add3A_1072 : f32 to vector<8x1xf32>
      %add3A_1074 = arith.addf %sqrt3A_1071, %add3A_1073 : vector<8x1xf32>
      %div3A_1075 = arith.constant 1.000000e+00 : f32
      %div3A_1076 = vector.broadcast %div3A_1075 : f32 to vector<8x1xf32>
      %div3A_1077 = arith.divf %div3A_1076, %add3A_1074 : vector<8x1xf32>
      %get3A_1078 = arith.constant 3 : index
      %get3A_1079 = arith.constant 0 : index
      %get3A_1080 = arith.constant 0 : index
      %get3A_1081 = vector.load %arg9[%get3A_1078, %get3A_1079, %get3A_1080] : memref<4x1x200xi32, #tpu.memory_space<vmem>>, vector<1x1x200xi32>
      %get3A_1082 = vector.shape_cast %get3A_1081 : vector<1x1x200xi32> to vector<1x200xi32>
      %iota3A_1083 = tpu.iota {dimensions = array<i32: 0>} : vector<2000x200xi32>
      %eq3A_1084 = vector.broadcast %get3A_1082 : vector<1x200xi32> to vector<2000x200xi32>
      %eq3A_1085 = arith.cmpi eq, %iota3A_1083, %eq3A_1084 : vector<2000x200xi32>
      %convert_element_type3A_1086 = arith.extui %eq3A_1085 : vector<2000x200xi1> to vector<2000x200xi32>
      %convert_element_type3A_1087 = arith.sitofp %convert_element_type3A_1086 : vector<2000x200xi32> to vector<2000x200xf32>
      %dot_general3A_1088 = arith.constant dense<0.000000e+00> : vector<8x200xf32>
      %dot_general3A_1089 = tpu.matmul %get3A_1052, %convert_element_type3A_1087, %dot_general3A_1088 {dimension_numbers = #tpu.dot_dimension_numbers<[1], [0], [0], [1], [0, 0, 1, 1], [], []>, transpose_lhs_hint = false} : vector<8x2000xf32>, vector<2000x200xf32>, vector<8x200xf32> -> vector<8x200xf32>
      %sub3A_1090 = vector.broadcast %div3A_1062 : vector<8x1xf32> to vector<8x200xf32>
      %sub3A_1091 = arith.subf %dot_general3A_1089, %sub3A_1090 : vector<8x200xf32>
      %mul3A_1092 = vector.broadcast %div3A_1077 : vector<8x1xf32> to vector<8x200xf32>
      %mul3A_1093 = arith.mulf %sub3A_1091, %mul3A_1092 : vector<8x200xf32>
      %get3A_1094 = arith.constant 0 : index
      %get3A_1095 = arith.constant 0 : index
      %get3A_1096 = vector.load %arg11[%get3A_1094, %get3A_1095] : memref<128x8xf32, #tpu.memory_space<vmem>>, vector<128x8xf32>
      %dot_general3A_1097 = arith.constant dense<0.000000e+00> : vector<200x128xf32>
      %dot_general3A_1098 = tpu.matmul %mul3A_1093, %get3A_1096, %dot_general3A_1097 {dimension_numbers = #tpu.dot_dimension_numbers<[0], [1], [1], [0], [0, 1, 1, 0], [], []>, transpose_lhs_hint = false} : vector<8x200xf32>, vector<128x8xf32>, vector<200x128xf32> -> vector<200x128xf32>
      %get3A_1099 = arith.constant 0 : index
      %get3A_1100 = arith.constant 0 : index
      %get3A_1101 = vector.load %arg12[%get3A_1099, %get3A_1100] : memref<1x128xf32, #tpu.memory_space<vmem>>, vector<1x128xf32>
      %add3A_1102 = vector.broadcast %get3A_1101 : vector<1x128xf32> to vector<200x128xf32>
      %add3A_1103 = arith.addf %dot_general3A_1098, %add3A_1102 : vector<200x128xf32>
      %swap3A_1104 = arith.constant 3 : index
      %swap3A_1105 = arith.constant 0 : index
      %swap3A_1106 = arith.constant 0 : index
      %swap3A_1107 = vector.load %arg17[%swap3A_1104, %swap3A_1105, %swap3A_1106] : memref<4x200x128xf32, #tpu.memory_space<vmem>>, vector<1x200x128xf32>
      %swap3A_1108 = vector.shape_cast %swap3A_1107 : vector<1x200x128xf32> to vector<200x128xf32>
      %swap3A_1109 = vector.shape_cast %add3A_1103 : vector<200x128xf32> to vector<1x200x128xf32>
      tpu.vector_store %arg17[%swap3A_1104, %swap3A_1105, %swap3A_1106], %swap3A_1109 {strides = array<i32>} : memref<4x200x128xf32, #tpu.memory_space<vmem>>, vector<1x200x128xf32>,
      %get3A_1110 = arith.constant 3 : index
      %get3A_1111 = arith.constant 0 : index
      %get3A_1112 = arith.constant 0 : index
      %get3A_1113 = vector.load %arg3[%get3A_1110, %get3A_1111, %get3A_1112] : memref<4x6x64xf32, #tpu.memory_space<vmem>>, vector<1x6x64xf32>
      %get3A_1114 = vector.shape_cast %get3A_1113 : vector<1x6x64xf32> to vector<6x64xf32>
      %reduce_sum3A_1115 = arith.constant dense<0.000000e+00> : vector<6xf32>
      %reduce_sum3A_1116 = vector.multi_reduction <add>, %get3A_1114, %reduce_sum3A_1115 [1] : vector<6x64xf32> to vector<6xf32>
      %broadcast_in_dim3A_1117 = vector.shape_cast %reduce_sum3A_1116 : vector<6xf32> to vector<6x1xf32>
      %mul3A_1118 = arith.mulf %get3A_1114, %get3A_1114 : vector<6x64xf32>
      %reduce_sum3A_1119 = arith.constant dense<0.000000e+00> : vector<6xf32>
      %reduce_sum3A_1120 = vector.multi_reduction <add>, %mul3A_1118, %reduce_sum3A_1119 [1] : vector<6x64xf32> to vector<6xf32>
      %broadcast_in_dim3A_1121 = vector.shape_cast %reduce_sum3A_1120 : vector<6xf32> to vector<6x1xf32>
      %div3A_1122 = arith.constant 6.400000e+01 : f32
      %div3A_1123 = vector.broadcast %div3A_1122 : f32 to vector<6x1xf32>
      %div3A_1124 = arith.divf %broadcast_in_dim3A_1117, %div3A_1123 : vector<6x1xf32>
      %mul3A_1125 = arith.mulf %broadcast_in_dim3A_1117, %broadcast_in_dim3A_1117 : vector<6x1xf32>
      %div3A_1126 = arith.constant 6.400000e+01 : f32
      %div3A_1127 = vector.broadcast %div3A_1126 : f32 to vector<6x1xf32>
      %div3A_1128 = arith.divf %mul3A_1125, %div3A_1127 : vector<6x1xf32>
      %sub3A_1129 = arith.subf %broadcast_in_dim3A_1121, %div3A_1128 : vector<6x1xf32>
      %div3A_1130 = arith.constant 6.300000e+01 : f32
      %div3A_1131 = vector.broadcast %div3A_1130 : f32 to vector<6x1xf32>
      %div3A_1132 = arith.divf %sub3A_1129, %div3A_1131 : vector<6x1xf32>
      %sqrt3A_1133 = math.sqrt %div3A_1132 : vector<6x1xf32>
      %add3A_1134 = arith.constant 9.99999974E-6 : f32
      %add3A_1135 = vector.broadcast %add3A_1134 : f32 to vector<6x1xf32>
      %add3A_1136 = arith.addf %sqrt3A_1133, %add3A_1135 : vector<6x1xf32>
      %div3A_1137 = arith.constant 1.000000e+00 : f32
      %div3A_1138 = vector.broadcast %div3A_1137 : f32 to vector<6x1xf32>
      %div3A_1139 = arith.divf %div3A_1138, %add3A_1136 : vector<6x1xf32>
      %sub3A_1140 = vector.broadcast %div3A_1124 : vector<6x1xf32> to vector<6x64xf32>
      %sub3A_1141 = arith.subf %get3A_1114, %sub3A_1140 : vector<6x64xf32>
      %mul3A_1142 = vector.broadcast %div3A_1139 : vector<6x1xf32> to vector<6x64xf32>
      %mul3A_1143 = arith.mulf %sub3A_1141, %mul3A_1142 : vector<6x64xf32>
      %get3A_1144 = arith.constant 0 : index
      %get3A_1145 = arith.constant 0 : index
      %get3A_1146 = vector.load %arg13[%get3A_1144, %get3A_1145] : memref<128x6xf32, #tpu.memory_space<vmem>>, vector<128x6xf32>
      %dot_general3A_1147 = arith.constant dense<0.000000e+00> : vector<64x128xf32>
      %dot_general3A_1148 = tpu.matmul %mul3A_1143, %get3A_1146, %dot_general3A_1147 {dimension_numbers = #tpu.dot_dimension_numbers<[0], [1], [1], [0], [0, 1, 1, 0], [], []>, transpose_lhs_hint = false} : vector<6x64xf32>, vector<128x6xf32>, vector<64x128xf32> -> vector<64x128xf32>
      %get3A_1149 = arith.constant 0 : index
      %get3A_1150 = arith.constant 0 : index
      %get3A_1151 = vector.load %arg14[%get3A_1149, %get3A_1150] : memref<1x128xf32, #tpu.memory_space<vmem>>, vector<1x128xf32>
      %add3A_1152 = vector.broadcast %get3A_1151 : vector<1x128xf32> to vector<64x128xf32>
      %add3A_1153 = arith.addf %dot_general3A_1148, %add3A_1152 : vector<64x128xf32>
      %swap3A_1154 = arith.constant 3 : index
      %swap3A_1155 = arith.constant 0 : index
      %swap3A_1156 = arith.constant 0 : index
      %swap3A_1157 = vector.load %arg18[%swap3A_1154, %swap3A_1155, %swap3A_1156] : memref<4x64x128xf32, #tpu.memory_space<vmem>>, vector<1x64x128xf32>
      %swap3A_1158 = vector.shape_cast %swap3A_1157 : vector<1x64x128xf32> to vector<64x128xf32>
      %swap3A_1159 = vector.shape_cast %add3A_1153 : vector<64x128xf32> to vector<1x64x128xf32>
      tpu.vector_store %arg18[%swap3A_1154, %swap3A_1155, %swap3A_1156], %swap3A_1159 {strides = array<i32>} : memref<4x64x128xf32, #tpu.memory_space<vmem>>, vector<1x64x128xf32>,
      %get3A_1160 = arith.constant 3 : index
      %get3A_1161 = arith.constant 0 : index
      %get3A_1162 = arith.constant 0 : index
      %get3A_1163 = vector.load %arg4[%get3A_1160, %get3A_1161, %get3A_1162] : memref<4x5x32xf32, #tpu.memory_space<vmem>>, vector<1x5x32xf32>
      %get3A_1164 = vector.shape_cast %get3A_1163 : vector<1x5x32xf32> to vector<5x32xf32>
      %reduce_sum3A_1165 = arith.constant dense<0.000000e+00> : vector<5xf32>
      %reduce_sum3A_1166 = vector.multi_reduction <add>, %get3A_1164, %reduce_sum3A_1165 [1] : vector<5x32xf32> to vector<5xf32>
      %broadcast_in_dim3A_1167 = vector.shape_cast %reduce_sum3A_1166 : vector<5xf32> to vector<5x1xf32>
      %mul3A_1168 = arith.mulf %get3A_1164, %get3A_1164 : vector<5x32xf32>
      %reduce_sum3A_1169 = arith.constant dense<0.000000e+00> : vector<5xf32>
      %reduce_sum3A_1170 = vector.multi_reduction <add>, %mul3A_1168, %reduce_sum3A_1169 [1] : vector<5x32xf32> to vector<5xf32>
      %broadcast_in_dim3A_1171 = vector.shape_cast %reduce_sum3A_1170 : vector<5xf32> to vector<5x1xf32>
      %div3A_1172 = arith.constant 3.200000e+01 : f32
      %div3A_1173 = vector.broadcast %div3A_1172 : f32 to vector<5x1xf32>
      %div3A_1174 = arith.divf %broadcast_in_dim3A_1167, %div3A_1173 : vector<5x1xf32>
      %mul3A_1175 = arith.mulf %broadcast_in_dim3A_1167, %broadcast_in_dim3A_1167 : vector<5x1xf32>
      %div3A_1176 = arith.constant 3.200000e+01 : f32
      %div3A_1177 = vector.broadcast %div3A_1176 : f32 to vector<5x1xf32>
      %div3A_1178 = arith.divf %mul3A_1175, %div3A_1177 : vector<5x1xf32>
      %sub3A_1179 = arith.subf %broadcast_in_dim3A_1171, %div3A_1178 : vector<5x1xf32>
      %div3A_1180 = arith.constant 3.100000e+01 : f32
      %div3A_1181 = vector.broadcast %div3A_1180 : f32 to vector<5x1xf32>
      %div3A_1182 = arith.divf %sub3A_1179, %div3A_1181 : vector<5x1xf32>
      %sqrt3A_1183 = math.sqrt %div3A_1182 : vector<5x1xf32>
      %add3A_1184 = arith.constant 9.99999974E-6 : f32
      %add3A_1185 = vector.broadcast %add3A_1184 : f32 to vector<5x1xf32>
      %add3A_1186 = arith.addf %sqrt3A_1183, %add3A_1185 : vector<5x1xf32>
      %div3A_1187 = arith.constant 1.000000e+00 : f32
      %div3A_1188 = vector.broadcast %div3A_1187 : f32 to vector<5x1xf32>
      %div3A_1189 = arith.divf %div3A_1188, %add3A_1186 : vector<5x1xf32>
      %sub3A_1190 = vector.broadcast %div3A_1174 : vector<5x1xf32> to vector<5x32xf32>
      %sub3A_1191 = arith.subf %get3A_1164, %sub3A_1190 : vector<5x32xf32>
      %mul3A_1192 = vector.broadcast %div3A_1189 : vector<5x1xf32> to vector<5x32xf32>
      %mul3A_1193 = arith.mulf %sub3A_1191, %mul3A_1192 : vector<5x32xf32>
      %get3A_1194 = arith.constant 0 : index
      %get3A_1195 = arith.constant 0 : index
      %get3A_1196 = vector.load %arg15[%get3A_1194, %get3A_1195] : memref<128x5xf32, #tpu.memory_space<vmem>>, vector<128x5xf32>
      %dot_general3A_1197 = arith.constant dense<0.000000e+00> : vector<32x128xf32>
      %dot_general3A_1198 = tpu.matmul %mul3A_1193, %get3A_1196, %dot_general3A_1197 {dimension_numbers = #tpu.dot_dimension_numbers<[0], [1], [1], [0], [0, 1, 1, 0], [], []>, transpose_lhs_hint = false} : vector<5x32xf32>, vector<128x5xf32>, vector<32x128xf32> -> vector<32x128xf32>
      %get3A_1199 = arith.constant 0 : index
      %get3A_1200 = arith.constant 0 : index
      %get3A_1201 = vector.load %arg16[%get3A_1199, %get3A_1200] : memref<1x128xf32, #tpu.memory_space<vmem>>, vector<1x128xf32>
      %add3A_1202 = vector.broadcast %get3A_1201 : vector<1x128xf32> to vector<32x128xf32>
      %add3A_1203 = arith.addf %dot_general3A_1198, %add3A_1202 : vector<32x128xf32>
      %swap3A_1204 = arith.constant 3 : index
      %swap3A_1205 = arith.constant 0 : index
      %swap3A_1206 = arith.constant 0 : index
      %swap3A_1207 = vector.load %arg19[%swap3A_1204, %swap3A_1205, %swap3A_1206] : memref<4x32x128xf32, #tpu.memory_space<vmem>>, vector<1x32x128xf32>
      %swap3A_1208 = vector.shape_cast %swap3A_1207 : vector<1x32x128xf32> to vector<32x128xf32>
      %swap3A_1209 = vector.shape_cast %add3A_1203 : vector<32x128xf32> to vector<1x32x128xf32>
      tpu.vector_store %arg19[%swap3A_1204, %swap3A_1205, %swap3A_1206], %swap3A_1209 {strides = array<i32>} : memref<4x32x128xf32, #tpu.memory_space<vmem>>, vector<1x32x128xf32>,
      %get3A_1210 = arith.constant 3 : index
      %get3A_1211 = arith.constant 0 : index
      %get3A_1212 = arith.constant 0 : index
      %get3A_1213 = vector.load %arg7[%get3A_1210, %get3A_1211, %get3A_1212] : memref<4x32x128xf32, #tpu.memory_space<vmem>>, vector<1x32x128xf32>
      %get3A_1214 = vector.shape_cast %get3A_1213 : vector<1x32x128xf32> to vector<32x128xf32>
      %get3A_1215 = arith.constant 3 : index
      %get3A_1216 = arith.constant 0 : index
      %get3A_1217 = arith.constant 0 : index
      %get3A_1218 = vector.load %arg8[%get3A_1215, %get3A_1216, %get3A_1217] : memref<4x32x1xf32, #tpu.memory_space<vmem>>, vector<1x32x1xf32>
      %get3A_1219 = vector.shape_cast %get3A_1218 : vector<1x32x1xf32> to vector<32x1xf32>
      %gt3A_1220 = arith.constant 5.000000e-01 : f32
      %gt3A_1221 = vector.broadcast %gt3A_1220 : f32 to vector<32x1xf32>
      %gt3A_1222 = arith.cmpf ogt, %get3A_1219, %gt3A_1221 : vector<32x1xf32>
      %slice3A_1223 = vector.extract_strided_slice %get3A_1214 {offsets = [0, 64], sizes = [32, 64], strides = [1, 1]} : vector<32x128xf32> to vector<32x64xf32>
      %slice3A_1224 = vector.extract_strided_slice %get3A_1214 {offsets = [0, 0], sizes = [32, 64], strides = [1, 1]} : vector<32x128xf32> to vector<32x64xf32>
      %broadcast_in_dim3A_1225 = vector.shape_cast %gt3A_1222 : vector<32x1xi1> to vector<32x1xi1>
      %broadcast_in_dim3A_1226 = vector.broadcast %broadcast_in_dim3A_1225 : vector<32x1xi1> to vector<32x64xi1>
      %select_n3A_1227 = arith.select %broadcast_in_dim3A_1226, %slice3A_1223, %slice3A_1224 : vector<32x64xi1>, vector<32x64xf32>
      %get3A_1228 = arith.constant 3 : index
      %get3A_1229 = arith.constant 0 : index
      %get3A_1230 = arith.constant 0 : index
      %get3A_1231 = vector.load %arg10[%get3A_1228, %get3A_1229, %get3A_1230] : memref<4x1x200xi32, #tpu.memory_space<vmem>>, vector<1x1x200xi32>
      %get3A_1232 = vector.shape_cast %get3A_1231 : vector<1x1x200xi32> to vector<1x200xi32>
      %iota3A_1233 = tpu.iota {dimensions = array<i32: 0>} : vector<64x200xi32>
      %eq3A_1234 = vector.broadcast %get3A_1232 : vector<1x200xi32> to vector<64x200xi32>
      %eq3A_1235 = arith.cmpi eq, %iota3A_1233, %eq3A_1234 : vector<64x200xi32>
      %convert_element_type3A_1236 = arith.extui %eq3A_1235 : vector<64x200xi1> to vector<64x200xi32>
      %convert_element_type3A_1237 = arith.sitofp %convert_element_type3A_1236 : vector<64x200xi32> to vector<64x200xf32>
      %dot_general3A_1238 = arith.constant dense<0.000000e+00> : vector<32x200xf32>
      %dot_general3A_1239 = tpu.matmul %select_n3A_1227, %convert_element_type3A_1237, %dot_general3A_1238 {dimension_numbers = #tpu.dot_dimension_numbers<[1], [0], [0], [1], [0, 0, 1, 1], [], []>, transpose_lhs_hint = false} : vector<32x64xf32>, vector<64x200xf32>, vector<32x200xf32> -> vector<32x200xf32>
      %get3A_1240 = arith.constant 3 : index
      %get3A_1241 = arith.constant 0 : index
      %get3A_1242 = arith.constant 0 : index
      %get3A_1243 = vector.load %arg5[%get3A_1240, %get3A_1241, %get3A_1242] : memref<4x64x2000xf32, #tpu.memory_space<vmem>>, vector<1x64x2000xf32>
      %get3A_1244 = vector.shape_cast %get3A_1243 : vector<1x64x2000xf32> to vector<64x2000xf32>
      %dot_general3A_1245 = arith.constant dense<0.000000e+00> : vector<64x200xf32>
      %dot_general3A_1246 = tpu.matmul %get3A_1244, %convert_element_type3A_1087, %dot_general3A_1245 {dimension_numbers = #tpu.dot_dimension_numbers<[1], [0], [0], [1], [0, 0, 1, 1], [], []>, transpose_lhs_hint = false} : vector<64x2000xf32>, vector<2000x200xf32>, vector<64x200xf32> -> vector<64x200xf32>
      %get3A_1247 = arith.constant 3 : index
      %get3A_1248 = arith.constant 0 : index
      %get3A_1249 = arith.constant 0 : index
      %get3A_1250 = vector.load %arg6[%get3A_1247, %get3A_1248, %get3A_1249] : memref<4x64x64xf32, #tpu.memory_space<vmem>>, vector<1x64x64xf32>
      %get3A_1251 = vector.shape_cast %get3A_1250 : vector<1x64x64xf32> to vector<64x64xf32>
      %mul3A_1252 = arith.constant 4 : i32
      %mul3A_1253 = arith.muli %mul3A_1252, %arg1 : i32
      %add3A_1254 = arith.constant 3 : i32
      %add3A_1255 = arith.addi %mul3A_1253, %add3A_1254 : i32
      %swap3A_1256 = arith.index_cast %add3A_1255 : i32 to index
      %swap3A_1257 = arith.constant 0 : index
      %swap3A_1258 = arith.constant 0 : index
      %swap3A_1259 = vector.load %arg24[%swap3A_1256, %swap3A_1257, %swap3A_1258] : memref<64x64x200xf32, #tpu.memory_space<vmem>>, vector<1x64x200xf32>
      %swap3A_1260 = vector.shape_cast %swap3A_1259 : vector<1x64x200xf32> to vector<64x200xf32>
      %swap3A_1261 = vector.shape_cast %dot_general3A_1246 : vector<64x200xf32> to vector<1x64x200xf32>
      tpu.vector_store %arg24[%swap3A_1256, %swap3A_1257, %swap3A_1258], %swap3A_1261 {strides = array<i32>} : memref<64x64x200xf32, #tpu.memory_space<vmem>>, vector<1x64x200xf32>,
      %mul3A_1262 = arith.constant 4 : i32
      %mul3A_1263 = arith.muli %mul3A_1262, %arg1 : i32
      %add3A_1264 = arith.constant 3 : i32
      %add3A_1265 = arith.addi %mul3A_1263, %add3A_1264 : i32
      %swap3A_1266 = arith.index_cast %add3A_1265 : i32 to index
      %swap3A_1267 = arith.constant 0 : index
      %swap3A_1268 = arith.constant 0 : index
      %swap3A_1269 = vector.load %arg25[%swap3A_1266, %swap3A_1267, %swap3A_1268] : memref<64x32x200xf32, #tpu.memory_space<vmem>>, vector<1x32x200xf32>
      %swap3A_1270 = vector.shape_cast %swap3A_1269 : vector<1x32x200xf32> to vector<32x200xf32>
      %swap3A_1271 = vector.shape_cast %dot_general3A_1239 : vector<32x200xf32> to vector<1x32x200xf32>
      tpu.vector_store %arg25[%swap3A_1266, %swap3A_1267, %swap3A_1268], %swap3A_1271 {strides = array<i32>} : memref<64x32x200xf32, #tpu.memory_space<vmem>>, vector<1x32x200xf32>,
      %mul3A_1272 = arith.constant 4 : i32
      %mul3A_1273 = arith.muli %mul3A_1272, %arg1 : i32
      %add3A_1274 = arith.constant 3 : i32
      %add3A_1275 = arith.addi %mul3A_1273, %add3A_1274 : i32
      %swap3A_1276 = arith.index_cast %add3A_1275 : i32 to index
      %swap3A_1277 = arith.constant 0 : index
      %swap3A_1278 = arith.constant 0 : index
      %swap3A_1279 = vector.load %arg26[%swap3A_1276, %swap3A_1277, %swap3A_1278] : memref<64x32x64xf32, #tpu.memory_space<vmem>>, vector<1x32x64xf32>
      %swap3A_1280 = vector.shape_cast %swap3A_1279 : vector<1x32x64xf32> to vector<32x64xf32>
      %swap3A_1281 = vector.shape_cast %select_n3A_1227 : vector<32x64xf32> to vector<1x32x64xf32>
      tpu.vector_store %arg26[%swap3A_1276, %swap3A_1277, %swap3A_1278], %swap3A_1281 {strides = array<i32>} : memref<64x32x64xf32, #tpu.memory_space<vmem>>, vector<1x32x64xf32>,
      %mul3A_1282 = arith.constant 4 : i32
      %mul3A_1283 = arith.muli %mul3A_1282, %arg1 : i32
      %add3A_1284 = arith.constant 3 : i32
      %add3A_1285 = arith.addi %mul3A_1283, %add3A_1284 : i32
      %swap3A_1286 = arith.index_cast %add3A_1285 : i32 to index
      %swap3A_1287 = arith.constant 0 : index
      %swap3A_1288 = arith.constant 0 : index
      %swap3A_1289 = vector.load %arg27[%swap3A_1286, %swap3A_1287, %swap3A_1288] : memref<64x64x64xf32, #tpu.memory_space<vmem>>, vector<1x64x64xf32>
      %swap3A_1290 = vector.shape_cast %swap3A_1289 : vector<1x64x64xf32> to vector<64x64xf32>
      %swap3A_1291 = vector.shape_cast %get3A_1251 : vector<64x64xf32> to vector<1x64x64xf32>
      tpu.vector_store %arg27[%swap3A_1286, %swap3A_1287, %swap3A_1288], %swap3A_1291 {strides = array<i32>} : memref<64x64x64xf32, #tpu.memory_space<vmem>>, vector<1x64x64xf32>,
      %reduce_sum3A_1292 = vector.shape_cast %get3A_1244 : vector<64x2000xf32> to vector<1x64x2000xf32>
      %reduce_sum3A_1293 = arith.constant dense<0.000000e+00> : vector<1xf32>
      %reduce_sum3A_1294 = vector.multi_reduction <add>, %reduce_sum3A_1292, %reduce_sum3A_1293 [1, 2] : vector<1x64x2000xf32> to vector<1xf32>
      %reduce_sum3A_1295 = vector.shape_cast %reduce_sum3A_1294 : vector<1xf32> to vector<1x1x1xf32>
      %reduce_sum3A_1296 = vector.extract %reduce_sum3A_1295[0, 0, 0] : f32 from vector<1x1x1xf32>
      %mul3A_1297 = arith.mulf %get3A_1244, %get3A_1244 : vector<64x2000xf32>
      %reduce_sum3A_1298 = vector.shape_cast %mul3A_1297 : vector<64x2000xf32> to vector<1x64x2000xf32>
      %reduce_sum3A_1299 = arith.constant dense<0.000000e+00> : vector<1xf32>
      %reduce_sum3A_1300 = vector.multi_reduction <add>, %reduce_sum3A_1298, %reduce_sum3A_1299 [1, 2] : vector<1x64x2000xf32> to vector<1xf32>
      %reduce_sum3A_1301 = vector.shape_cast %reduce_sum3A_1300 : vector<1xf32> to vector<1x1x1xf32>
      %reduce_sum3A_1302 = vector.extract %reduce_sum3A_1301[0, 0, 0] : f32 from vector<1x1x1xf32>
      %reduce_sum3A_1303 = vector.shape_cast %get3A_1251 : vector<64x64xf32> to vector<1x64x64xf32>
      %reduce_sum3A_1304 = arith.constant dense<0.000000e+00> : vector<1xf32>
      %reduce_sum3A_1305 = vector.multi_reduction <add>, %reduce_sum3A_1303, %reduce_sum3A_1304 [1, 2] : vector<1x64x64xf32> to vector<1xf32>
      %reduce_sum3A_1306 = vector.shape_cast %reduce_sum3A_1305 : vector<1xf32> to vector<1x1x1xf32>
      %reduce_sum3A_1307 = vector.extract %reduce_sum3A_1306[0, 0, 0] : f32 from vector<1x1x1xf32>
      %mul3A_1308 = arith.mulf %get3A_1251, %get3A_1251 : vector<64x64xf32>
      %reduce_sum3A_1309 = vector.shape_cast %mul3A_1308 : vector<64x64xf32> to vector<1x64x64xf32>
      %reduce_sum3A_1310 = arith.constant dense<0.000000e+00> : vector<1xf32>
      %reduce_sum3A_1311 = vector.multi_reduction <add>, %reduce_sum3A_1309, %reduce_sum3A_1310 [1, 2] : vector<1x64x64xf32> to vector<1xf32>
      %reduce_sum3A_1312 = vector.shape_cast %reduce_sum3A_1311 : vector<1xf32> to vector<1x1x1xf32>
      %reduce_sum3A_1313 = vector.extract %reduce_sum3A_1312[0, 0, 0] : f32 from vector<1x1x1xf32>
      %reduce_sum3A_1314 = vector.shape_cast %select_n3A_1227 : vector<32x64xf32> to vector<1x32x64xf32>
      %reduce_sum3A_1315 = arith.constant dense<0.000000e+00> : vector<1xf32>
      %reduce_sum3A_1316 = vector.multi_reduction <add>, %reduce_sum3A_1314, %reduce_sum3A_1315 [1, 2] : vector<1x32x64xf32> to vector<1xf32>
      %reduce_sum3A_1317 = vector.shape_cast %reduce_sum3A_1316 : vector<1xf32> to vector<1x1x1xf32>
      %reduce_sum3A_1318 = vector.extract %reduce_sum3A_1317[0, 0, 0] : f32 from vector<1x1x1xf32>
      %mul3A_1319 = arith.mulf %select_n3A_1227, %select_n3A_1227 : vector<32x64xf32>
      %reduce_sum3A_1320 = vector.shape_cast %mul3A_1319 : vector<32x64xf32> to vector<1x32x64xf32>
      %reduce_sum3A_1321 = arith.constant dense<0.000000e+00> : vector<1xf32>
      %reduce_sum3A_1322 = vector.multi_reduction <add>, %reduce_sum3A_1320, %reduce_sum3A_1321 [1, 2] : vector<1x32x64xf32> to vector<1xf32>
      %reduce_sum3A_1323 = vector.shape_cast %reduce_sum3A_1322 : vector<1xf32> to vector<1x1x1xf32>
      %reduce_sum3A_1324 = vector.extract %reduce_sum3A_1323[0, 0, 0] : f32 from vector<1x1x1xf32>
      %reduce_sum3A_1325 = vector.shape_cast %dot_general3A_1239 : vector<32x200xf32> to vector<1x32x200xf32>
      %reduce_sum3A_1326 = arith.constant dense<0.000000e+00> : vector<1xf32>
      %reduce_sum3A_1327 = vector.multi_reduction <add>, %reduce_sum3A_1325, %reduce_sum3A_1326 [1, 2] : vector<1x32x200xf32> to vector<1xf32>
      %reduce_sum3A_1328 = vector.shape_cast %reduce_sum3A_1327 : vector<1xf32> to vector<1x1x1xf32>
      %reduce_sum3A_1329 = vector.extract %reduce_sum3A_1328[0, 0, 0] : f32 from vector<1x1x1xf32>
      %mul3A_1330 = arith.mulf %dot_general3A_1239, %dot_general3A_1239 : vector<32x200xf32>
      %reduce_sum3A_1331 = vector.shape_cast %mul3A_1330 : vector<32x200xf32> to vector<1x32x200xf32>
      %reduce_sum3A_1332 = arith.constant dense<0.000000e+00> : vector<1xf32>
      %reduce_sum3A_1333 = vector.multi_reduction <add>, %reduce_sum3A_1331, %reduce_sum3A_1332 [1, 2] : vector<1x32x200xf32> to vector<1xf32>
      %reduce_sum3A_1334 = vector.shape_cast %reduce_sum3A_1333 : vector<1xf32> to vector<1x1x1xf32>
      %reduce_sum3A_1335 = vector.extract %reduce_sum3A_1334[0, 0, 0] : f32 from vector<1x1x1xf32>
      %eq3A_1336 = arith.constant 0 : i32
      %eq3A_1337 = vector.broadcast %eq3A_1336 : i32 to vector<1x128xi32>
      %eq3A_1338 = arith.cmpi eq, %iota3A, %eq3A_1337 : vector<1x128xi32>
      %jit3A_1339 = arith.constant 0.000000e+00 : f32
      %broadcast_in_dim3A_1340 = vector.broadcast %reduce_sum3A_1296 : f32 to vector<1x128xf32>
      %broadcast_in_dim3A_1341 = vector.broadcast %jit3A_1339 : f32 to vector<1x128xf32>
      %select_n3A_1342 = arith.select %eq3A_1338, %broadcast_in_dim3A_1340, %broadcast_in_dim3A_1341 : vector<1x128xi1>, vector<1x128xf32>
      %eq3A_1343 = arith.constant 1 : i32
      %eq3A_1344 = vector.broadcast %eq3A_1343 : i32 to vector<1x128xi32>
      %eq3A_1345 = arith.cmpi eq, %iota3A, %eq3A_1344 : vector<1x128xi32>
      %jit3A_1346 = arith.constant 0.000000e+00 : f32
      %broadcast_in_dim3A_1347 = vector.broadcast %reduce_sum3A_1302 : f32 to vector<1x128xf32>
      %broadcast_in_dim3A_1348 = vector.broadcast %jit3A_1346 : f32 to vector<1x128xf32>
      %select_n3A_1349 = arith.select %eq3A_1345, %broadcast_in_dim3A_1347, %broadcast_in_dim3A_1348 : vector<1x128xi1>, vector<1x128xf32>
      %add3A_1350 = arith.addf %select_n3A_1342, %select_n3A_1349 : vector<1x128xf32>
      %eq3A_1351 = arith.constant 2 : i32
      %eq3A_1352 = vector.broadcast %eq3A_1351 : i32 to vector<1x128xi32>
      %eq3A_1353 = arith.cmpi eq, %iota3A, %eq3A_1352 : vector<1x128xi32>
      %jit3A_1354 = arith.constant 0.000000e+00 : f32
      %broadcast_in_dim3A_1355 = vector.broadcast %reduce_sum3A_1307 : f32 to vector<1x128xf32>
      %broadcast_in_dim3A_1356 = vector.broadcast %jit3A_1354 : f32 to vector<1x128xf32>
      %select_n3A_1357 = arith.select %eq3A_1353, %broadcast_in_dim3A_1355, %broadcast_in_dim3A_1356 : vector<1x128xi1>, vector<1x128xf32>
      %add3A_1358 = arith.addf %add3A_1350, %select_n3A_1357 : vector<1x128xf32>
      %eq3A_1359 = arith.constant 3 : i32
      %eq3A_1360 = vector.broadcast %eq3A_1359 : i32 to vector<1x128xi32>
      %eq3A_1361 = arith.cmpi eq, %iota3A, %eq3A_1360 : vector<1x128xi32>
      %jit3A_1362 = arith.constant 0.000000e+00 : f32
      %broadcast_in_dim3A_1363 = vector.broadcast %reduce_sum3A_1313 : f32 to vector<1x128xf32>
      %broadcast_in_dim3A_1364 = vector.broadcast %jit3A_1362 : f32 to vector<1x128xf32>
      %select_n3A_1365 = arith.select %eq3A_1361, %broadcast_in_dim3A_1363, %broadcast_in_dim3A_1364 : vector<1x128xi1>, vector<1x128xf32>
      %add3A_1366 = arith.addf %add3A_1358, %select_n3A_1365 : vector<1x128xf32>
      %eq3A_1367 = arith.constant 4 : i32
      %eq3A_1368 = vector.broadcast %eq3A_1367 : i32 to vector<1x128xi32>
      %eq3A_1369 = arith.cmpi eq, %iota3A, %eq3A_1368 : vector<1x128xi32>
      %jit3A_1370 = arith.constant 0.000000e+00 : f32
      %broadcast_in_dim3A_1371 = vector.broadcast %reduce_sum3A_1318 : f32 to vector<1x128xf32>
      %broadcast_in_dim3A_1372 = vector.broadcast %jit3A_1370 : f32 to vector<1x128xf32>
      %select_n3A_1373 = arith.select %eq3A_1369, %broadcast_in_dim3A_1371, %broadcast_in_dim3A_1372 : vector<1x128xi1>, vector<1x128xf32>
      %add3A_1374 = arith.addf %add3A_1366, %select_n3A_1373 : vector<1x128xf32>
      %eq3A_1375 = arith.constant 5 : i32
      %eq3A_1376 = vector.broadcast %eq3A_1375 : i32 to vector<1x128xi32>
      %eq3A_1377 = arith.cmpi eq, %iota3A, %eq3A_1376 : vector<1x128xi32>
      %jit3A_1378 = arith.constant 0.000000e+00 : f32
      %broadcast_in_dim3A_1379 = vector.broadcast %reduce_sum3A_1324 : f32 to vector<1x128xf32>
      %broadcast_in_dim3A_1380 = vector.broadcast %jit3A_1378 : f32 to vector<1x128xf32>
      %select_n3A_1381 = arith.select %eq3A_1377, %broadcast_in_dim3A_1379, %broadcast_in_dim3A_1380 : vector<1x128xi1>, vector<1x128xf32>
      %add3A_1382 = arith.addf %add3A_1374, %select_n3A_1381 : vector<1x128xf32>
      %eq3A_1383 = arith.constant 6 : i32
      %eq3A_1384 = vector.broadcast %eq3A_1383 : i32 to vector<1x128xi32>
      %eq3A_1385 = arith.cmpi eq, %iota3A, %eq3A_1384 : vector<1x128xi32>
      %jit3A_1386 = arith.constant 0.000000e+00 : f32
      %broadcast_in_dim3A_1387 = vector.broadcast %reduce_sum3A_1329 : f32 to vector<1x128xf32>
      %broadcast_in_dim3A_1388 = vector.broadcast %jit3A_1386 : f32 to vector<1x128xf32>
      %select_n3A_1389 = arith.select %eq3A_1385, %broadcast_in_dim3A_1387, %broadcast_in_dim3A_1388 : vector<1x128xi1>, vector<1x128xf32>
      %add3A_1390 = arith.addf %add3A_1382, %select_n3A_1389 : vector<1x128xf32>
      %eq3A_1391 = arith.constant 7 : i32
      %eq3A_1392 = vector.broadcast %eq3A_1391 : i32 to vector<1x128xi32>
      %eq3A_1393 = arith.cmpi eq, %iota3A, %eq3A_1392 : vector<1x128xi32>
      %jit3A_1394 = arith.constant 0.000000e+00 : f32
      %broadcast_in_dim3A_1395 = vector.broadcast %reduce_sum3A_1335 : f32 to vector<1x128xf32>
      %broadcast_in_dim3A_1396 = vector.broadcast %jit3A_1394 : f32 to vector<1x128xf32>
      %select_n3A_1397 = arith.select %eq3A_1393, %broadcast_in_dim3A_1395, %broadcast_in_dim3A_1396 : vector<1x128xi1>, vector<1x128xf32>
      %add3A_1398 = arith.addf %add3A_1390, %select_n3A_1397 : vector<1x128xf32>
      %add3A_1399 = arith.addf %add3A_1047, %add3A_1398 : vector<1x128xf32>
      %eq3A_1400 = arith.constant 0 : i32
      %eq3A_1401 = arith.cmpi eq, %arg1, %eq3A_1400 : i32
      %convert_element_type3A_1402 = arith.extui %eq3A_1401 : i1 to i32
      %cond3A_1403 = arith.constant 0 : i32
      %cond3A_1404 = arith.cmpi ne, %convert_element_type3A_1402, %cond3A_1403 : i32
      scf.if %cond3A_1404 {
        %swap3A_1409 = arith.constant 0 : index
        %swap3A_1410 = arith.constant 0 : index
        %swap3A_1411 = vector.load %arg31[%swap3A_1409, %swap3A_1410] : memref<1x128xf32, #tpu.memory_space<vmem>>, vector<1x128xf32>
        tpu.vector_store %arg31[%swap3A_1409, %swap3A_1410], %add3A_1399 {strides = array<i32>} : memref<1x128xf32, #tpu.memory_space<vmem>>, vector<1x128xf32>,
        %get3A_1412 = arith.constant 0 : index
        %get3A_1413 = arith.constant 0 : index
        %get3A_1414 = arith.constant 0 : index
        %get3A_1415 = vector.load %arg17[%get3A_1412, %get3A_1413, %get3A_1414] : memref<4x200x128xf32, #tpu.memory_space<vmem>>, vector<4x200x128xf32>
        %swap3A_1416 = arith.constant 0 : index
        %swap3A_1417 = arith.constant 0 : index
        %swap3A_1418 = arith.constant 0 : index
        %swap3A_1419 = vector.load %arg28[%swap3A_1416, %swap3A_1417, %swap3A_1418] : memref<4x200x128xf32, #tpu.memory_space<vmem>>, vector<4x200x128xf32>
        tpu.vector_store %arg28[%swap3A_1416, %swap3A_1417, %swap3A_1418], %get3A_1415 {strides = array<i32>} : memref<4x200x128xf32, #tpu.memory_space<vmem>>, vector<4x200x128xf32>,
        %get3A_1420 = arith.constant 0 : index
        %get3A_1421 = arith.constant 0 : index
        %get3A_1422 = arith.constant 0 : index
        %get3A_1423 = vector.load %arg18[%get3A_1420, %get3A_1421, %get3A_1422] : memref<4x64x128xf32, #tpu.memory_space<vmem>>, vector<4x64x128xf32>
        %swap3A_1424 = arith.constant 0 : index
        %swap3A_1425 = arith.constant 0 : index
        %swap3A_1426 = arith.constant 0 : index
        %swap3A_1427 = vector.load %arg29[%swap3A_1424, %swap3A_1425, %swap3A_1426] : memref<4x64x128xf32, #tpu.memory_space<vmem>>, vector<4x64x128xf32>
        tpu.vector_store %arg29[%swap3A_1424, %swap3A_1425, %swap3A_1426], %get3A_1423 {strides = array<i32>} : memref<4x64x128xf32, #tpu.memory_space<vmem>>, vector<4x64x128xf32>,
        %get3A_1428 = arith.constant 0 : index
        %get3A_1429 = arith.constant 0 : index
        %get3A_1430 = arith.constant 0 : index
        %get3A_1431 = vector.load %arg19[%get3A_1428, %get3A_1429, %get3A_1430] : memref<4x32x128xf32, #tpu.memory_space<vmem>>, vector<4x32x128xf32>
        %swap3A_1432 = arith.constant 0 : index
        %swap3A_1433 = arith.constant 0 : index
        %swap3A_1434 = arith.constant 0 : index
        %swap3A_1435 = vector.load %arg30[%swap3A_1432, %swap3A_1433, %swap3A_1434] : memref<4x32x128xf32, #tpu.memory_space<vmem>>, vector<4x32x128xf32>
        tpu.vector_store %arg30[%swap3A_1432, %swap3A_1433, %swap3A_1434], %get3A_1431 {strides = array<i32>} : memref<4x32x128xf32, #tpu.memory_space<vmem>>, vector<4x32x128xf32>,
      } else {
      }
      %ne3A = arith.constant 0 : i32
      %ne3A_1405 = arith.cmpi ne, %arg1, %ne3A : i32
      %convert_element_type3A_1406 = arith.extui %ne3A_1405 : i1 to i32
      %cond3A_1407 = arith.constant 0 : i32
      %cond3A_1408 = arith.cmpi ne, %convert_element_type3A_1406, %cond3A_1407 : i32
      scf.if %cond3A_1408 {
        %get3A_1409 = arith.constant 0 : index
        %get3A_1410 = arith.constant 0 : index
        %get3A_1411 = vector.load %arg31[%get3A_1409, %get3A_1410] : memref<1x128xf32, #tpu.memory_space<vmem>>, vector<1x128xf32>
        %add3A_1412 = arith.addf %get3A_1411, %add3A_1399 : vector<1x128xf32>
        %swap3A_1413 = arith.constant 0 : index
        %swap3A_1414 = arith.constant 0 : index
        %swap3A_1415 = vector.load %arg31[%swap3A_1413, %swap3A_1414] : memref<1x128xf32, #tpu.memory_space<vmem>>, vector<1x128xf32>
        tpu.vector_store %arg31[%swap3A_1413, %swap3A_1414], %add3A_1412 {strides = array<i32>} : memref<1x128xf32, #tpu.memory_space<vmem>>, vector<1x128xf32>,
      } else {
      }
    } else {
    }
    %eq3A_2 = arith.constant 1 : i32
    %eq3A_3 = arith.cmpi eq, %arg0, %eq3A_2 : i32
    %convert_element_type3A_4 = arith.extui %eq3A_3 : i1 to i32
    %cond3A_5 = arith.constant 0 : i32
    %cond3A_6 = arith.cmpi ne, %convert_element_type3A_4, %cond3A_5 : i32
    scf.if %cond3A_6 {
      %get3A = arith.constant 0 : index
      %get3A_7 = arith.constant 0 : index
      %get3A_8 = vector.load %arg31[%get3A, %get3A_7] : memref<1x128xf32, #tpu.memory_space<vmem>>, vector<1x128xf32>
      %eq3A_9 = arith.constant 0 : i32
      %eq3A_10 = vector.broadcast %eq3A_9 : i32 to vector<1x128xi32>
      %eq3A_11 = arith.cmpi eq, %iota3A, %eq3A_10 : vector<1x128xi32>
      %jit3A = arith.constant 0.000000e+00 : f32
      %broadcast_in_dim3A = vector.broadcast %jit3A : f32 to vector<1x128xf32>
      %select_n3A = arith.select %eq3A_11, %get3A_8, %broadcast_in_dim3A : vector<1x128xi1>, vector<1x128xf32>
      %reduce_sum3A = vector.shape_cast %select_n3A : vector<1x128xf32> to vector<1x1x128xf32>
      %reduce_sum3A_12 = arith.constant dense<0.000000e+00> : vector<1xf32>
      %reduce_sum3A_13 = vector.multi_reduction <add>, %reduce_sum3A, %reduce_sum3A_12 [1, 2] : vector<1x1x128xf32> to vector<1xf32>
      %reduce_sum3A_14 = vector.shape_cast %reduce_sum3A_13 : vector<1xf32> to vector<1x1x1xf32>
      %reduce_sum3A_15 = vector.extract %reduce_sum3A_14[0, 0, 0] : f32 from vector<1x1x1xf32>
      %eq3A_16 = arith.constant 1 : i32
      %eq3A_17 = vector.broadcast %eq3A_16 : i32 to vector<1x128xi32>
      %eq3A_18 = arith.cmpi eq, %iota3A, %eq3A_17 : vector<1x128xi32>
      %jit3A_19 = arith.constant 0.000000e+00 : f32
      %broadcast_in_dim3A_20 = vector.broadcast %jit3A_19 : f32 to vector<1x128xf32>
      %select_n3A_21 = arith.select %eq3A_18, %get3A_8, %broadcast_in_dim3A_20 : vector<1x128xi1>, vector<1x128xf32>
      %reduce_sum3A_22 = vector.shape_cast %select_n3A_21 : vector<1x128xf32> to vector<1x1x128xf32>
      %reduce_sum3A_23 = arith.constant dense<0.000000e+00> : vector<1xf32>
      %reduce_sum3A_24 = vector.multi_reduction <add>, %reduce_sum3A_22, %reduce_sum3A_23 [1, 2] : vector<1x1x128xf32> to vector<1xf32>
      %reduce_sum3A_25 = vector.shape_cast %reduce_sum3A_24 : vector<1xf32> to vector<1x1x1xf32>
      %reduce_sum3A_26 = vector.extract %reduce_sum3A_25[0, 0, 0] : f32 from vector<1x1x1xf32>
      %div3A = arith.constant 8.192000e+06 : f32
      %div3A_27 = arith.divf %reduce_sum3A_15, %div3A : f32
      %mul3A = arith.mulf %reduce_sum3A_15, %reduce_sum3A_15 : f32
      %div3A_28 = arith.constant 8.192000e+06 : f32
      %div3A_29 = arith.divf %mul3A, %div3A_28 : f32
      %sub3A = arith.subf %reduce_sum3A_26, %div3A_29 : f32
      %div3A_30 = arith.constant 0x4AF9FFFE : f32
      %div3A_31 = arith.divf %sub3A, %div3A_30 : f32
      %sqrt3A = math.sqrt %div3A_31 : f32
      %add3A = arith.constant 9.99999974E-6 : f32
      %add3A_32 = arith.addf %sqrt3A, %add3A : f32
      %div3A_33 = arith.constant 1.000000e+00 : f32
      %div3A_34 = arith.divf %div3A_33, %add3A_32 : f32
      %eq3A_35 = arith.constant 2 : i32
      %eq3A_36 = vector.broadcast %eq3A_35 : i32 to vector<1x128xi32>
      %eq3A_37 = arith.cmpi eq, %iota3A, %eq3A_36 : vector<1x128xi32>
      %jit3A_38 = arith.constant 0.000000e+00 : f32
      %broadcast_in_dim3A_39 = vector.broadcast %jit3A_38 : f32 to vector<1x128xf32>
      %select_n3A_40 = arith.select %eq3A_37, %get3A_8, %broadcast_in_dim3A_39 : vector<1x128xi1>, vector<1x128xf32>
      %reduce_sum3A_41 = vector.shape_cast %select_n3A_40 : vector<1x128xf32> to vector<1x1x128xf32>
      %reduce_sum3A_42 = arith.constant dense<0.000000e+00> : vector<1xf32>
      %reduce_sum3A_43 = vector.multi_reduction <add>, %reduce_sum3A_41, %reduce_sum3A_42 [1, 2] : vector<1x1x128xf32> to vector<1xf32>
      %reduce_sum3A_44 = vector.shape_cast %reduce_sum3A_43 : vector<1xf32> to vector<1x1x1xf32>
      %reduce_sum3A_45 = vector.extract %reduce_sum3A_44[0, 0, 0] : f32 from vector<1x1x1xf32>
      %eq3A_46 = arith.constant 3 : i32
      %eq3A_47 = vector.broadcast %eq3A_46 : i32 to vector<1x128xi32>
      %eq3A_48 = arith.cmpi eq, %iota3A, %eq3A_47 : vector<1x128xi32>
      %jit3A_49 = arith.constant 0.000000e+00 : f32
      %broadcast_in_dim3A_50 = vector.broadcast %jit3A_49 : f32 to vector<1x128xf32>
      %select_n3A_51 = arith.select %eq3A_48, %get3A_8, %broadcast_in_dim3A_50 : vector<1x128xi1>, vector<1x128xf32>
      %reduce_sum3A_52 = vector.shape_cast %select_n3A_51 : vector<1x128xf32> to vector<1x1x128xf32>
      %reduce_sum3A_53 = arith.constant dense<0.000000e+00> : vector<1xf32>
      %reduce_sum3A_54 = vector.multi_reduction <add>, %reduce_sum3A_52, %reduce_sum3A_53 [1, 2] : vector<1x1x128xf32> to vector<1xf32>
      %reduce_sum3A_55 = vector.shape_cast %reduce_sum3A_54 : vector<1xf32> to vector<1x1x1xf32>
      %reduce_sum3A_56 = vector.extract %reduce_sum3A_55[0, 0, 0] : f32 from vector<1x1x1xf32>
      %div3A_57 = arith.constant 2.621440e+05 : f32
      %div3A_58 = arith.divf %reduce_sum3A_45, %div3A_57 : f32
      %mul3A_59 = arith.mulf %reduce_sum3A_45, %reduce_sum3A_45 : f32
      %div3A_60 = arith.constant 2.621440e+05 : f32
      %div3A_61 = arith.divf %mul3A_59, %div3A_60 : f32
      %sub3A_62 = arith.subf %reduce_sum3A_56, %div3A_61 : f32
      %div3A_63 = arith.constant 2.621430e+05 : f32
      %div3A_64 = arith.divf %sub3A_62, %div3A_63 : f32
      %sqrt3A_65 = math.sqrt %div3A_64 : f32
      %add3A_66 = arith.constant 9.99999974E-6 : f32
      %add3A_67 = arith.addf %sqrt3A_65, %add3A_66 : f32
      %div3A_68 = arith.constant 1.000000e+00 : f32
      %div3A_69 = arith.divf %div3A_68, %add3A_67 : f32
      %eq3A_70 = arith.constant 4 : i32
      %eq3A_71 = vector.broadcast %eq3A_70 : i32 to vector<1x128xi32>
      %eq3A_72 = arith.cmpi eq, %iota3A, %eq3A_71 : vector<1x128xi32>
      %jit3A_73 = arith.constant 0.000000e+00 : f32
      %broadcast_in_dim3A_74 = vector.broadcast %jit3A_73 : f32 to vector<1x128xf32>
      %select_n3A_75 = arith.select %eq3A_72, %get3A_8, %broadcast_in_dim3A_74 : vector<1x128xi1>, vector<1x128xf32>
      %reduce_sum3A_76 = vector.shape_cast %select_n3A_75 : vector<1x128xf32> to vector<1x1x128xf32>
      %reduce_sum3A_77 = arith.constant dense<0.000000e+00> : vector<1xf32>
      %reduce_sum3A_78 = vector.multi_reduction <add>, %reduce_sum3A_76, %reduce_sum3A_77 [1, 2] : vector<1x1x128xf32> to vector<1xf32>
      %reduce_sum3A_79 = vector.shape_cast %reduce_sum3A_78 : vector<1xf32> to vector<1x1x1xf32>
      %reduce_sum3A_80 = vector.extract %reduce_sum3A_79[0, 0, 0] : f32 from vector<1x1x1xf32>
      %eq3A_81 = arith.constant 5 : i32
      %eq3A_82 = vector.broadcast %eq3A_81 : i32 to vector<1x128xi32>
      %eq3A_83 = arith.cmpi eq, %iota3A, %eq3A_82 : vector<1x128xi32>
      %jit3A_84 = arith.constant 0.000000e+00 : f32
      %broadcast_in_dim3A_85 = vector.broadcast %jit3A_84 : f32 to vector<1x128xf32>
      %select_n3A_86 = arith.select %eq3A_83, %get3A_8, %broadcast_in_dim3A_85 : vector<1x128xi1>, vector<1x128xf32>
      %reduce_sum3A_87 = vector.shape_cast %select_n3A_86 : vector<1x128xf32> to vector<1x1x128xf32>
      %reduce_sum3A_88 = arith.constant dense<0.000000e+00> : vector<1xf32>
      %reduce_sum3A_89 = vector.multi_reduction <add>, %reduce_sum3A_87, %reduce_sum3A_88 [1, 2] : vector<1x1x128xf32> to vector<1xf32>
      %reduce_sum3A_90 = vector.shape_cast %reduce_sum3A_89 : vector<1xf32> to vector<1x1x1xf32>
      %reduce_sum3A_91 = vector.extract %reduce_sum3A_90[0, 0, 0] : f32 from vector<1x1x1xf32>
      %div3A_92 = arith.constant 1.310720e+05 : f32
      %div3A_93 = arith.divf %reduce_sum3A_80, %div3A_92 : f32
      %mul3A_94 = arith.mulf %reduce_sum3A_80, %reduce_sum3A_80 : f32
      %div3A_95 = arith.constant 1.310720e+05 : f32
      %div3A_96 = arith.divf %mul3A_94, %div3A_95 : f32
      %sub3A_97 = arith.subf %reduce_sum3A_91, %div3A_96 : f32
      %div3A_98 = arith.constant 1.310710e+05 : f32
      %div3A_99 = arith.divf %sub3A_97, %div3A_98 : f32
      %sqrt3A_100 = math.sqrt %div3A_99 : f32
      %add3A_101 = arith.constant 9.99999974E-6 : f32
      %add3A_102 = arith.addf %sqrt3A_100, %add3A_101 : f32
      %div3A_103 = arith.constant 1.000000e+00 : f32
      %div3A_104 = arith.divf %div3A_103, %add3A_102 : f32
      %eq3A_105 = arith.constant 6 : i32
      %eq3A_106 = vector.broadcast %eq3A_105 : i32 to vector<1x128xi32>
      %eq3A_107 = arith.cmpi eq, %iota3A, %eq3A_106 : vector<1x128xi32>
      %jit3A_108 = arith.constant 0.000000e+00 : f32
      %broadcast_in_dim3A_109 = vector.broadcast %jit3A_108 : f32 to vector<1x128xf32>
      %select_n3A_110 = arith.select %eq3A_107, %get3A_8, %broadcast_in_dim3A_109 : vector<1x128xi1>, vector<1x128xf32>
      %reduce_sum3A_111 = vector.shape_cast %select_n3A_110 : vector<1x128xf32> to vector<1x1x128xf32>
      %reduce_sum3A_112 = arith.constant dense<0.000000e+00> : vector<1xf32>
      %reduce_sum3A_113 = vector.multi_reduction <add>, %reduce_sum3A_111, %reduce_sum3A_112 [1, 2] : vector<1x1x128xf32> to vector<1xf32>
      %reduce_sum3A_114 = vector.shape_cast %reduce_sum3A_113 : vector<1xf32> to vector<1x1x1xf32>
      %reduce_sum3A_115 = vector.extract %reduce_sum3A_114[0, 0, 0] : f32 from vector<1x1x1xf32>
      %eq3A_116 = arith.constant 7 : i32
      %eq3A_117 = vector.broadcast %eq3A_116 : i32 to vector<1x128xi32>
      %eq3A_118 = arith.cmpi eq, %iota3A, %eq3A_117 : vector<1x128xi32>
      %jit3A_119 = arith.constant 0.000000e+00 : f32
      %broadcast_in_dim3A_120 = vector.broadcast %jit3A_119 : f32 to vector<1x128xf32>
      %select_n3A_121 = arith.select %eq3A_118, %get3A_8, %broadcast_in_dim3A_120 : vector<1x128xi1>, vector<1x128xf32>
      %reduce_sum3A_122 = vector.shape_cast %select_n3A_121 : vector<1x128xf32> to vector<1x1x128xf32>
      %reduce_sum3A_123 = arith.constant dense<0.000000e+00> : vector<1xf32>
      %reduce_sum3A_124 = vector.multi_reduction <add>, %reduce_sum3A_122, %reduce_sum3A_123 [1, 2] : vector<1x1x128xf32> to vector<1xf32>
      %reduce_sum3A_125 = vector.shape_cast %reduce_sum3A_124 : vector<1xf32> to vector<1x1x1xf32>
      %reduce_sum3A_126 = vector.extract %reduce_sum3A_125[0, 0, 0] : f32 from vector<1x1x1xf32>
      %div3A_127 = arith.constant 4.096000e+05 : f32
      %div3A_128 = arith.divf %reduce_sum3A_115, %div3A_127 : f32
      %mul3A_129 = arith.mulf %reduce_sum3A_115, %reduce_sum3A_115 : f32
      %div3A_130 = arith.constant 4.096000e+05 : f32
      %div3A_131 = arith.divf %mul3A_129, %div3A_130 : f32
      %sub3A_132 = arith.subf %reduce_sum3A_126, %div3A_131 : f32
      %div3A_133 = arith.constant 4.095990e+05 : f32
      %div3A_134 = arith.divf %sub3A_132, %div3A_133 : f32
      %sqrt3A_135 = math.sqrt %div3A_134 : f32
      %add3A_136 = arith.constant 9.99999974E-6 : f32
      %add3A_137 = arith.addf %sqrt3A_135, %add3A_136 : f32
      %div3A_138 = arith.constant 1.000000e+00 : f32
      %div3A_139 = arith.divf %div3A_138, %add3A_137 : f32
      %mul3A_140 = arith.constant 4 : i32
      %mul3A_141 = arith.muli %mul3A_140, %arg1 : i32
      %add3A_142 = arith.constant 0 : i32
      %add3A_143 = arith.addi %mul3A_141, %add3A_142 : i32
      %get3A_144 = arith.index_cast %add3A_143 : i32 to index
      %get3A_145 = arith.constant 0 : index
      %get3A_146 = arith.constant 0 : index
      %get3A_147 = vector.load %arg24[%get3A_144, %get3A_145, %get3A_146] : memref<64x64x200xf32, #tpu.memory_space<vmem>>, vector<1x64x200xf32>
      %get3A_148 = vector.shape_cast %get3A_147 : vector<1x64x200xf32> to vector<64x200xf32>
      %sub3A_149 = vector.broadcast %div3A_27 : f32 to vector<64x200xf32>
      %sub3A_150 = arith.subf %get3A_148, %sub3A_149 : vector<64x200xf32>
      %mul3A_151 = vector.broadcast %div3A_34 : f32 to vector<64x200xf32>
      %mul3A_152 = arith.mulf %sub3A_150, %mul3A_151 : vector<64x200xf32>
      %swap3A = arith.constant 0 : index
      %swap3A_153 = arith.constant 0 : index
      %swap3A_154 = arith.constant 0 : index
      %swap3A_155 = vector.load %arg20[%swap3A, %swap3A_153, %swap3A_154] : memref<4x64x200xf32, #tpu.memory_space<vmem>>, vector<1x64x200xf32>
      %swap3A_156 = vector.shape_cast %swap3A_155 : vector<1x64x200xf32> to vector<64x200xf32>
      %swap3A_157 = vector.shape_cast %mul3A_152 : vector<64x200xf32> to vector<1x64x200xf32>
      tpu.vector_store %arg20[%swap3A, %swap3A_153, %swap3A_154], %swap3A_157 {strides = array<i32>} : memref<4x64x200xf32, #tpu.memory_space<vmem>>, vector<1x64x200xf32>,
      %mul3A_158 = arith.constant 4 : i32
      %mul3A_159 = arith.muli %mul3A_158, %arg1 : i32
      %add3A_160 = arith.constant 0 : i32
      %add3A_161 = arith.addi %mul3A_159, %add3A_160 : i32
      %get3A_162 = arith.index_cast %add3A_161 : i32 to index
      %get3A_163 = arith.constant 0 : index
      %get3A_164 = arith.constant 0 : index
      %get3A_165 = vector.load %arg27[%get3A_162, %get3A_163, %get3A_164] : memref<64x64x64xf32, #tpu.memory_space<vmem>>, vector<1x64x64xf32>
      %get3A_166 = vector.shape_cast %get3A_165 : vector<1x64x64xf32> to vector<64x64xf32>
      %sub3A_167 = vector.broadcast %div3A_58 : f32 to vector<64x64xf32>
      %sub3A_168 = arith.subf %get3A_166, %sub3A_167 : vector<64x64xf32>
      %mul3A_169 = vector.broadcast %div3A_69 : f32 to vector<64x64xf32>
      %mul3A_170 = arith.mulf %sub3A_168, %mul3A_169 : vector<64x64xf32>
      %swap3A_171 = arith.constant 0 : index
      %swap3A_172 = arith.constant 0 : index
      %swap3A_173 = arith.constant 0 : index
      %swap3A_174 = vector.load %arg21[%swap3A_171, %swap3A_172, %swap3A_173] : memref<4x64x64xf32, #tpu.memory_space<vmem>>, vector<1x64x64xf32>
      %swap3A_175 = vector.shape_cast %swap3A_174 : vector<1x64x64xf32> to vector<64x64xf32>
      %swap3A_176 = vector.shape_cast %mul3A_170 : vector<64x64xf32> to vector<1x64x64xf32>
      tpu.vector_store %arg21[%swap3A_171, %swap3A_172, %swap3A_173], %swap3A_176 {strides = array<i32>} : memref<4x64x64xf32, #tpu.memory_space<vmem>>, vector<1x64x64xf32>,
      %mul3A_177 = arith.constant 4 : i32
      %mul3A_178 = arith.muli %mul3A_177, %arg1 : i32
      %add3A_179 = arith.constant 0 : i32
      %add3A_180 = arith.addi %mul3A_178, %add3A_179 : i32
      %get3A_181 = arith.index_cast %add3A_180 : i32 to index
      %get3A_182 = arith.constant 0 : index
      %get3A_183 = arith.constant 0 : index
      %get3A_184 = vector.load %arg26[%get3A_181, %get3A_182, %get3A_183] : memref<64x32x64xf32, #tpu.memory_space<vmem>>, vector<1x32x64xf32>
      %get3A_185 = vector.shape_cast %get3A_184 : vector<1x32x64xf32> to vector<32x64xf32>
      %sub3A_186 = vector.broadcast %div3A_93 : f32 to vector<32x64xf32>
      %sub3A_187 = arith.subf %get3A_185, %sub3A_186 : vector<32x64xf32>
      %mul3A_188 = vector.broadcast %div3A_104 : f32 to vector<32x64xf32>
      %mul3A_189 = arith.mulf %sub3A_187, %mul3A_188 : vector<32x64xf32>
      %swap3A_190 = arith.constant 0 : index
      %swap3A_191 = arith.constant 0 : index
      %swap3A_192 = arith.constant 0 : index
      %swap3A_193 = vector.load %arg22[%swap3A_190, %swap3A_191, %swap3A_192] : memref<4x32x64xf32, #tpu.memory_space<vmem>>, vector<1x32x64xf32>
      %swap3A_194 = vector.shape_cast %swap3A_193 : vector<1x32x64xf32> to vector<32x64xf32>
      %swap3A_195 = vector.shape_cast %mul3A_189 : vector<32x64xf32> to vector<1x32x64xf32>
      tpu.vector_store %arg22[%swap3A_190, %swap3A_191, %swap3A_192], %swap3A_195 {strides = array<i32>} : memref<4x32x64xf32, #tpu.memory_space<vmem>>, vector<1x32x64xf32>,
      %mul3A_196 = arith.constant 4 : i32
      %mul3A_197 = arith.muli %mul3A_196, %arg1 : i32
      %add3A_198 = arith.constant 0 : i32
      %add3A_199 = arith.addi %mul3A_197, %add3A_198 : i32
      %get3A_200 = arith.index_cast %add3A_199 : i32 to index
      %get3A_201 = arith.constant 0 : index
      %get3A_202 = arith.constant 0 : index
      %get3A_203 = vector.load %arg25[%get3A_200, %get3A_201, %get3A_202] : memref<64x32x200xf32, #tpu.memory_space<vmem>>, vector<1x32x200xf32>
      %get3A_204 = vector.shape_cast %get3A_203 : vector<1x32x200xf32> to vector<32x200xf32>
      %sub3A_205 = vector.broadcast %div3A_128 : f32 to vector<32x200xf32>
      %sub3A_206 = arith.subf %get3A_204, %sub3A_205 : vector<32x200xf32>
      %mul3A_207 = vector.broadcast %div3A_139 : f32 to vector<32x200xf32>
      %mul3A_208 = arith.mulf %sub3A_206, %mul3A_207 : vector<32x200xf32>
      %swap3A_209 = arith.constant 0 : index
      %swap3A_210 = arith.constant 0 : index
      %swap3A_211 = arith.constant 0 : index
      %swap3A_212 = vector.load %arg23[%swap3A_209, %swap3A_210, %swap3A_211] : memref<4x32x200xf32, #tpu.memory_space<vmem>>, vector<1x32x200xf32>
      %swap3A_213 = vector.shape_cast %swap3A_212 : vector<1x32x200xf32> to vector<32x200xf32>
      %swap3A_214 = vector.shape_cast %mul3A_208 : vector<32x200xf32> to vector<1x32x200xf32>
      tpu.vector_store %arg23[%swap3A_209, %swap3A_210, %swap3A_211], %swap3A_214 {strides = array<i32>} : memref<4x32x200xf32, #tpu.memory_space<vmem>>, vector<1x32x200xf32>,
      %mul3A_215 = arith.constant 4 : i32
      %mul3A_216 = arith.muli %mul3A_215, %arg1 : i32
      %add3A_217 = arith.constant 1 : i32
      %add3A_218 = arith.addi %mul3A_216, %add3A_217 : i32
      %get3A_219 = arith.index_cast %add3A_218 : i32 to index
      %get3A_220 = arith.constant 0 : index
      %get3A_221 = arith.constant 0 : index
      %get3A_222 = vector.load %arg24[%get3A_219, %get3A_220, %get3A_221] : memref<64x64x200xf32, #tpu.memory_space<vmem>>, vector<1x64x200xf32>
      %get3A_223 = vector.shape_cast %get3A_222 : vector<1x64x200xf32> to vector<64x200xf32>
      %sub3A_224 = vector.broadcast %div3A_27 : f32 to vector<64x200xf32>
      %sub3A_225 = arith.subf %get3A_223, %sub3A_224 : vector<64x200xf32>
      %mul3A_226 = vector.broadcast %div3A_34 : f32 to vector<64x200xf32>
      %mul3A_227 = arith.mulf %sub3A_225, %mul3A_226 : vector<64x200xf32>
      %swap3A_228 = arith.constant 1 : index
      %swap3A_229 = arith.constant 0 : index
      %swap3A_230 = arith.constant 0 : index
      %swap3A_231 = vector.load %arg20[%swap3A_228, %swap3A_229, %swap3A_230] : memref<4x64x200xf32, #tpu.memory_space<vmem>>, vector<1x64x200xf32>
      %swap3A_232 = vector.shape_cast %swap3A_231 : vector<1x64x200xf32> to vector<64x200xf32>
      %swap3A_233 = vector.shape_cast %mul3A_227 : vector<64x200xf32> to vector<1x64x200xf32>
      tpu.vector_store %arg20[%swap3A_228, %swap3A_229, %swap3A_230], %swap3A_233 {strides = array<i32>} : memref<4x64x200xf32, #tpu.memory_space<vmem>>, vector<1x64x200xf32>,
      %mul3A_234 = arith.constant 4 : i32
      %mul3A_235 = arith.muli %mul3A_234, %arg1 : i32
      %add3A_236 = arith.constant 1 : i32
      %add3A_237 = arith.addi %mul3A_235, %add3A_236 : i32
      %get3A_238 = arith.index_cast %add3A_237 : i32 to index
      %get3A_239 = arith.constant 0 : index
      %get3A_240 = arith.constant 0 : index
      %get3A_241 = vector.load %arg27[%get3A_238, %get3A_239, %get3A_240] : memref<64x64x64xf32, #tpu.memory_space<vmem>>, vector<1x64x64xf32>
      %get3A_242 = vector.shape_cast %get3A_241 : vector<1x64x64xf32> to vector<64x64xf32>
      %sub3A_243 = vector.broadcast %div3A_58 : f32 to vector<64x64xf32>
      %sub3A_244 = arith.subf %get3A_242, %sub3A_243 : vector<64x64xf32>
      %mul3A_245 = vector.broadcast %div3A_69 : f32 to vector<64x64xf32>
      %mul3A_246 = arith.mulf %sub3A_244, %mul3A_245 : vector<64x64xf32>
      %swap3A_247 = arith.constant 1 : index
      %swap3A_248 = arith.constant 0 : index
      %swap3A_249 = arith.constant 0 : index
      %swap3A_250 = vector.load %arg21[%swap3A_247, %swap3A_248, %swap3A_249] : memref<4x64x64xf32, #tpu.memory_space<vmem>>, vector<1x64x64xf32>
      %swap3A_251 = vector.shape_cast %swap3A_250 : vector<1x64x64xf32> to vector<64x64xf32>
      %swap3A_252 = vector.shape_cast %mul3A_246 : vector<64x64xf32> to vector<1x64x64xf32>
      tpu.vector_store %arg21[%swap3A_247, %swap3A_248, %swap3A_249], %swap3A_252 {strides = array<i32>} : memref<4x64x64xf32, #tpu.memory_space<vmem>>, vector<1x64x64xf32>,
      %mul3A_253 = arith.constant 4 : i32
      %mul3A_254 = arith.muli %mul3A_253, %arg1 : i32
      %add3A_255 = arith.constant 1 : i32
      %add3A_256 = arith.addi %mul3A_254, %add3A_255 : i32
      %get3A_257 = arith.index_cast %add3A_256 : i32 to index
      %get3A_258 = arith.constant 0 : index
      %get3A_259 = arith.constant 0 : index
      %get3A_260 = vector.load %arg26[%get3A_257, %get3A_258, %get3A_259] : memref<64x32x64xf32, #tpu.memory_space<vmem>>, vector<1x32x64xf32>
      %get3A_261 = vector.shape_cast %get3A_260 : vector<1x32x64xf32> to vector<32x64xf32>
      %sub3A_262 = vector.broadcast %div3A_93 : f32 to vector<32x64xf32>
      %sub3A_263 = arith.subf %get3A_261, %sub3A_262 : vector<32x64xf32>
      %mul3A_264 = vector.broadcast %div3A_104 : f32 to vector<32x64xf32>
      %mul3A_265 = arith.mulf %sub3A_263, %mul3A_264 : vector<32x64xf32>
      %swap3A_266 = arith.constant 1 : index
      %swap3A_267 = arith.constant 0 : index
      %swap3A_268 = arith.constant 0 : index
      %swap3A_269 = vector.load %arg22[%swap3A_266, %swap3A_267, %swap3A_268] : memref<4x32x64xf32, #tpu.memory_space<vmem>>, vector<1x32x64xf32>
      %swap3A_270 = vector.shape_cast %swap3A_269 : vector<1x32x64xf32> to vector<32x64xf32>
      %swap3A_271 = vector.shape_cast %mul3A_265 : vector<32x64xf32> to vector<1x32x64xf32>
      tpu.vector_store %arg22[%swap3A_266, %swap3A_267, %swap3A_268], %swap3A_271 {strides = array<i32>} : memref<4x32x64xf32, #tpu.memory_space<vmem>>, vector<1x32x64xf32>,
      %mul3A_272 = arith.constant 4 : i32
      %mul3A_273 = arith.muli %mul3A_272, %arg1 : i32
      %add3A_274 = arith.constant 1 : i32
      %add3A_275 = arith.addi %mul3A_273, %add3A_274 : i32
      %get3A_276 = arith.index_cast %add3A_275 : i32 to index
      %get3A_277 = arith.constant 0 : index
      %get3A_278 = arith.constant 0 : index
      %get3A_279 = vector.load %arg25[%get3A_276, %get3A_277, %get3A_278] : memref<64x32x200xf32, #tpu.memory_space<vmem>>, vector<1x32x200xf32>
      %get3A_280 = vector.shape_cast %get3A_279 : vector<1x32x200xf32> to vector<32x200xf32>
      %sub3A_281 = vector.broadcast %div3A_128 : f32 to vector<32x200xf32>
      %sub3A_282 = arith.subf %get3A_280, %sub3A_281 : vector<32x200xf32>
      %mul3A_283 = vector.broadcast %div3A_139 : f32 to vector<32x200xf32>
      %mul3A_284 = arith.mulf %sub3A_282, %mul3A_283 : vector<32x200xf32>
      %swap3A_285 = arith.constant 1 : index
      %swap3A_286 = arith.constant 0 : index
      %swap3A_287 = arith.constant 0 : index
      %swap3A_288 = vector.load %arg23[%swap3A_285, %swap3A_286, %swap3A_287] : memref<4x32x200xf32, #tpu.memory_space<vmem>>, vector<1x32x200xf32>
      %swap3A_289 = vector.shape_cast %swap3A_288 : vector<1x32x200xf32> to vector<32x200xf32>
      %swap3A_290 = vector.shape_cast %mul3A_284 : vector<32x200xf32> to vector<1x32x200xf32>
      tpu.vector_store %arg23[%swap3A_285, %swap3A_286, %swap3A_287], %swap3A_290 {strides = array<i32>} : memref<4x32x200xf32, #tpu.memory_space<vmem>>, vector<1x32x200xf32>,
      %mul3A_291 = arith.constant 4 : i32
      %mul3A_292 = arith.muli %mul3A_291, %arg1 : i32
      %add3A_293 = arith.constant 2 : i32
      %add3A_294 = arith.addi %mul3A_292, %add3A_293 : i32
      %get3A_295 = arith.index_cast %add3A_294 : i32 to index
      %get3A_296 = arith.constant 0 : index
      %get3A_297 = arith.constant 0 : index
      %get3A_298 = vector.load %arg24[%get3A_295, %get3A_296, %get3A_297] : memref<64x64x200xf32, #tpu.memory_space<vmem>>, vector<1x64x200xf32>
      %get3A_299 = vector.shape_cast %get3A_298 : vector<1x64x200xf32> to vector<64x200xf32>
      %sub3A_300 = vector.broadcast %div3A_27 : f32 to vector<64x200xf32>
      %sub3A_301 = arith.subf %get3A_299, %sub3A_300 : vector<64x200xf32>
      %mul3A_302 = vector.broadcast %div3A_34 : f32 to vector<64x200xf32>
      %mul3A_303 = arith.mulf %sub3A_301, %mul3A_302 : vector<64x200xf32>
      %swap3A_304 = arith.constant 2 : index
      %swap3A_305 = arith.constant 0 : index
      %swap3A_306 = arith.constant 0 : index
      %swap3A_307 = vector.load %arg20[%swap3A_304, %swap3A_305, %swap3A_306] : memref<4x64x200xf32, #tpu.memory_space<vmem>>, vector<1x64x200xf32>
      %swap3A_308 = vector.shape_cast %swap3A_307 : vector<1x64x200xf32> to vector<64x200xf32>
      %swap3A_309 = vector.shape_cast %mul3A_303 : vector<64x200xf32> to vector<1x64x200xf32>
      tpu.vector_store %arg20[%swap3A_304, %swap3A_305, %swap3A_306], %swap3A_309 {strides = array<i32>} : memref<4x64x200xf32, #tpu.memory_space<vmem>>, vector<1x64x200xf32>,
      %mul3A_310 = arith.constant 4 : i32
      %mul3A_311 = arith.muli %mul3A_310, %arg1 : i32
      %add3A_312 = arith.constant 2 : i32
      %add3A_313 = arith.addi %mul3A_311, %add3A_312 : i32
      %get3A_314 = arith.index_cast %add3A_313 : i32 to index
      %get3A_315 = arith.constant 0 : index
      %get3A_316 = arith.constant 0 : index
      %get3A_317 = vector.load %arg27[%get3A_314, %get3A_315, %get3A_316] : memref<64x64x64xf32, #tpu.memory_space<vmem>>, vector<1x64x64xf32>
      %get3A_318 = vector.shape_cast %get3A_317 : vector<1x64x64xf32> to vector<64x64xf32>
      %sub3A_319 = vector.broadcast %div3A_58 : f32 to vector<64x64xf32>
      %sub3A_320 = arith.subf %get3A_318, %sub3A_319 : vector<64x64xf32>
      %mul3A_321 = vector.broadcast %div3A_69 : f32 to vector<64x64xf32>
      %mul3A_322 = arith.mulf %sub3A_320, %mul3A_321 : vector<64x64xf32>
      %swap3A_323 = arith.constant 2 : index
      %swap3A_324 = arith.constant 0 : index
      %swap3A_325 = arith.constant 0 : index
      %swap3A_326 = vector.load %arg21[%swap3A_323, %swap3A_324, %swap3A_325] : memref<4x64x64xf32, #tpu.memory_space<vmem>>, vector<1x64x64xf32>
      %swap3A_327 = vector.shape_cast %swap3A_326 : vector<1x64x64xf32> to vector<64x64xf32>
      %swap3A_328 = vector.shape_cast %mul3A_322 : vector<64x64xf32> to vector<1x64x64xf32>
      tpu.vector_store %arg21[%swap3A_323, %swap3A_324, %swap3A_325], %swap3A_328 {strides = array<i32>} : memref<4x64x64xf32, #tpu.memory_space<vmem>>, vector<1x64x64xf32>,
      %mul3A_329 = arith.constant 4 : i32
      %mul3A_330 = arith.muli %mul3A_329, %arg1 : i32
      %add3A_331 = arith.constant 2 : i32
      %add3A_332 = arith.addi %mul3A_330, %add3A_331 : i32
      %get3A_333 = arith.index_cast %add3A_332 : i32 to index
      %get3A_334 = arith.constant 0 : index
      %get3A_335 = arith.constant 0 : index
      %get3A_336 = vector.load %arg26[%get3A_333, %get3A_334, %get3A_335] : memref<64x32x64xf32, #tpu.memory_space<vmem>>, vector<1x32x64xf32>
      %get3A_337 = vector.shape_cast %get3A_336 : vector<1x32x64xf32> to vector<32x64xf32>
      %sub3A_338 = vector.broadcast %div3A_93 : f32 to vector<32x64xf32>
      %sub3A_339 = arith.subf %get3A_337, %sub3A_338 : vector<32x64xf32>
      %mul3A_340 = vector.broadcast %div3A_104 : f32 to vector<32x64xf32>
      %mul3A_341 = arith.mulf %sub3A_339, %mul3A_340 : vector<32x64xf32>
      %swap3A_342 = arith.constant 2 : index
      %swap3A_343 = arith.constant 0 : index
      %swap3A_344 = arith.constant 0 : index
      %swap3A_345 = vector.load %arg22[%swap3A_342, %swap3A_343, %swap3A_344] : memref<4x32x64xf32, #tpu.memory_space<vmem>>, vector<1x32x64xf32>
      %swap3A_346 = vector.shape_cast %swap3A_345 : vector<1x32x64xf32> to vector<32x64xf32>
      %swap3A_347 = vector.shape_cast %mul3A_341 : vector<32x64xf32> to vector<1x32x64xf32>
      tpu.vector_store %arg22[%swap3A_342, %swap3A_343, %swap3A_344], %swap3A_347 {strides = array<i32>} : memref<4x32x64xf32, #tpu.memory_space<vmem>>, vector<1x32x64xf32>,
      %mul3A_348 = arith.constant 4 : i32
      %mul3A_349 = arith.muli %mul3A_348, %arg1 : i32
      %add3A_350 = arith.constant 2 : i32
      %add3A_351 = arith.addi %mul3A_349, %add3A_350 : i32
      %get3A_352 = arith.index_cast %add3A_351 : i32 to index
      %get3A_353 = arith.constant 0 : index
      %get3A_354 = arith.constant 0 : index
      %get3A_355 = vector.load %arg25[%get3A_352, %get3A_353, %get3A_354] : memref<64x32x200xf32, #tpu.memory_space<vmem>>, vector<1x32x200xf32>
      %get3A_356 = vector.shape_cast %get3A_355 : vector<1x32x200xf32> to vector<32x200xf32>
      %sub3A_357 = vector.broadcast %div3A_128 : f32 to vector<32x200xf32>
      %sub3A_358 = arith.subf %get3A_356, %sub3A_357 : vector<32x200xf32>
      %mul3A_359 = vector.broadcast %div3A_139 : f32 to vector<32x200xf32>
      %mul3A_360 = arith.mulf %sub3A_358, %mul3A_359 : vector<32x200xf32>
      %swap3A_361 = arith.constant 2 : index
      %swap3A_362 = arith.constant 0 : index
      %swap3A_363 = arith.constant 0 : index
      %swap3A_364 = vector.load %arg23[%swap3A_361, %swap3A_362, %swap3A_363] : memref<4x32x200xf32, #tpu.memory_space<vmem>>, vector<1x32x200xf32>
      %swap3A_365 = vector.shape_cast %swap3A_364 : vector<1x32x200xf32> to vector<32x200xf32>
      %swap3A_366 = vector.shape_cast %mul3A_360 : vector<32x200xf32> to vector<1x32x200xf32>
      tpu.vector_store %arg23[%swap3A_361, %swap3A_362, %swap3A_363], %swap3A_366 {strides = array<i32>} : memref<4x32x200xf32, #tpu.memory_space<vmem>>, vector<1x32x200xf32>,
      %mul3A_367 = arith.constant 4 : i32
      %mul3A_368 = arith.muli %mul3A_367, %arg1 : i32
      %add3A_369 = arith.constant 3 : i32
      %add3A_370 = arith.addi %mul3A_368, %add3A_369 : i32
      %get3A_371 = arith.index_cast %add3A_370 : i32 to index
      %get3A_372 = arith.constant 0 : index
      %get3A_373 = arith.constant 0 : index
      %get3A_374 = vector.load %arg24[%get3A_371, %get3A_372, %get3A_373] : memref<64x64x200xf32, #tpu.memory_space<vmem>>, vector<1x64x200xf32>
      %get3A_375 = vector.shape_cast %get3A_374 : vector<1x64x200xf32> to vector<64x200xf32>
      %sub3A_376 = vector.broadcast %div3A_27 : f32 to vector<64x200xf32>
      %sub3A_377 = arith.subf %get3A_375, %sub3A_376 : vector<64x200xf32>
      %mul3A_378 = vector.broadcast %div3A_34 : f32 to vector<64x200xf32>
      %mul3A_379 = arith.mulf %sub3A_377, %mul3A_378 : vector<64x200xf32>
      %swap3A_380 = arith.constant 3 : index
      %swap3A_381 = arith.constant 0 : index
      %swap3A_382 = arith.constant 0 : index
      %swap3A_383 = vector.load %arg20[%swap3A_380, %swap3A_381, %swap3A_382] : memref<4x64x200xf32, #tpu.memory_space<vmem>>, vector<1x64x200xf32>
      %swap3A_384 = vector.shape_cast %swap3A_383 : vector<1x64x200xf32> to vector<64x200xf32>
      %swap3A_385 = vector.shape_cast %mul3A_379 : vector<64x200xf32> to vector<1x64x200xf32>
      tpu.vector_store %arg20[%swap3A_380, %swap3A_381, %swap3A_382], %swap3A_385 {strides = array<i32>} : memref<4x64x200xf32, #tpu.memory_space<vmem>>, vector<1x64x200xf32>,
      %mul3A_386 = arith.constant 4 : i32
      %mul3A_387 = arith.muli %mul3A_386, %arg1 : i32
      %add3A_388 = arith.constant 3 : i32
      %add3A_389 = arith.addi %mul3A_387, %add3A_388 : i32
      %get3A_390 = arith.index_cast %add3A_389 : i32 to index
      %get3A_391 = arith.constant 0 : index
      %get3A_392 = arith.constant 0 : index
      %get3A_393 = vector.load %arg27[%get3A_390, %get3A_391, %get3A_392] : memref<64x64x64xf32, #tpu.memory_space<vmem>>, vector<1x64x64xf32>
      %get3A_394 = vector.shape_cast %get3A_393 : vector<1x64x64xf32> to vector<64x64xf32>
      %sub3A_395 = vector.broadcast %div3A_58 : f32 to vector<64x64xf32>
      %sub3A_396 = arith.subf %get3A_394, %sub3A_395 : vector<64x64xf32>
      %mul3A_397 = vector.broadcast %div3A_69 : f32 to vector<64x64xf32>
      %mul3A_398 = arith.mulf %sub3A_396, %mul3A_397 : vector<64x64xf32>
      %swap3A_399 = arith.constant 3 : index
      %swap3A_400 = arith.constant 0 : index
      %swap3A_401 = arith.constant 0 : index
      %swap3A_402 = vector.load %arg21[%swap3A_399, %swap3A_400, %swap3A_401] : memref<4x64x64xf32, #tpu.memory_space<vmem>>, vector<1x64x64xf32>
      %swap3A_403 = vector.shape_cast %swap3A_402 : vector<1x64x64xf32> to vector<64x64xf32>
      %swap3A_404 = vector.shape_cast %mul3A_398 : vector<64x64xf32> to vector<1x64x64xf32>
      tpu.vector_store %arg21[%swap3A_399, %swap3A_400, %swap3A_401], %swap3A_404 {strides = array<i32>} : memref<4x64x64xf32, #tpu.memory_space<vmem>>, vector<1x64x64xf32>,
      %mul3A_405 = arith.constant 4 : i32
      %mul3A_406 = arith.muli %mul3A_405, %arg1 : i32
      %add3A_407 = arith.constant 3 : i32
      %add3A_408 = arith.addi %mul3A_406, %add3A_407 : i32
      %get3A_409 = arith.index_cast %add3A_408 : i32 to index
      %get3A_410 = arith.constant 0 : index
      %get3A_411 = arith.constant 0 : index
      %get3A_412 = vector.load %arg26[%get3A_409, %get3A_410, %get3A_411] : memref<64x32x64xf32, #tpu.memory_space<vmem>>, vector<1x32x64xf32>
      %get3A_413 = vector.shape_cast %get3A_412 : vector<1x32x64xf32> to vector<32x64xf32>
      %sub3A_414 = vector.broadcast %div3A_93 : f32 to vector<32x64xf32>
      %sub3A_415 = arith.subf %get3A_413, %sub3A_414 : vector<32x64xf32>
      %mul3A_416 = vector.broadcast %div3A_104 : f32 to vector<32x64xf32>
      %mul3A_417 = arith.mulf %sub3A_415, %mul3A_416 : vector<32x64xf32>
      %swap3A_418 = arith.constant 3 : index
      %swap3A_419 = arith.constant 0 : index
      %swap3A_420 = arith.constant 0 : index
      %swap3A_421 = vector.load %arg22[%swap3A_418, %swap3A_419, %swap3A_420] : memref<4x32x64xf32, #tpu.memory_space<vmem>>, vector<1x32x64xf32>
      %swap3A_422 = vector.shape_cast %swap3A_421 : vector<1x32x64xf32> to vector<32x64xf32>
      %swap3A_423 = vector.shape_cast %mul3A_417 : vector<32x64xf32> to vector<1x32x64xf32>
      tpu.vector_store %arg22[%swap3A_418, %swap3A_419, %swap3A_420], %swap3A_423 {strides = array<i32>} : memref<4x32x64xf32, #tpu.memory_space<vmem>>, vector<1x32x64xf32>,
      %mul3A_424 = arith.constant 4 : i32
      %mul3A_425 = arith.muli %mul3A_424, %arg1 : i32
      %add3A_426 = arith.constant 3 : i32
      %add3A_427 = arith.addi %mul3A_425, %add3A_426 : i32
      %get3A_428 = arith.index_cast %add3A_427 : i32 to index
      %get3A_429 = arith.constant 0 : index
      %get3A_430 = arith.constant 0 : index
      %get3A_431 = vector.load %arg25[%get3A_428, %get3A_429, %get3A_430] : memref<64x32x200xf32, #tpu.memory_space<vmem>>, vector<1x32x200xf32>
      %get3A_432 = vector.shape_cast %get3A_431 : vector<1x32x200xf32> to vector<32x200xf32>
      %sub3A_433 = vector.broadcast %div3A_128 : f32 to vector<32x200xf32>
      %sub3A_434 = arith.subf %get3A_432, %sub3A_433 : vector<32x200xf32>
      %mul3A_435 = vector.broadcast %div3A_139 : f32 to vector<32x200xf32>
      %mul3A_436 = arith.mulf %sub3A_434, %mul3A_435 : vector<32x200xf32>
      %swap3A_437 = arith.constant 3 : index
      %swap3A_438 = arith.constant 0 : index
      %swap3A_439 = arith.constant 0 : index
      %swap3A_440 = vector.load %arg23[%swap3A_437, %swap3A_438, %swap3A_439] : memref<4x32x200xf32, #tpu.memory_space<vmem>>, vector<1x32x200xf32>
      %swap3A_441 = vector.shape_cast %swap3A_440 : vector<1x32x200xf32> to vector<32x200xf32>
      %swap3A_442 = vector.shape_cast %mul3A_436 : vector<32x200xf32> to vector<1x32x200xf32>
      tpu.vector_store %arg23[%swap3A_437, %swap3A_438, %swap3A_439], %swap3A_442 {strides = array<i32>} : memref<4x32x200xf32, #tpu.memory_space<vmem>>, vector<1x32x200xf32>,
      %eq3A_443 = arith.constant 15 : i32
      %eq3A_444 = arith.cmpi eq, %arg1, %eq3A_443 : i32
      %convert_element_type3A_445 = arith.extui %eq3A_444 : i1 to i32
      %cond3A_446 = arith.constant 0 : i32
      %cond3A_447 = arith.cmpi ne, %convert_element_type3A_445, %cond3A_446 : i32
      scf.if %cond3A_447 {
        %get3A_448 = arith.constant 0 : index
        %get3A_449 = arith.constant 0 : index
        %get3A_450 = arith.constant 0 : index
        %get3A_451 = vector.load %arg28[%get3A_448, %get3A_449, %get3A_450] : memref<4x200x128xf32, #tpu.memory_space<vmem>>, vector<4x200x128xf32>
        %swap3A_452 = arith.constant 0 : index
        %swap3A_453 = arith.constant 0 : index
        %swap3A_454 = arith.constant 0 : index
        %swap3A_455 = vector.load %arg17[%swap3A_452, %swap3A_453, %swap3A_454] : memref<4x200x128xf32, #tpu.memory_space<vmem>>, vector<4x200x128xf32>
        tpu.vector_store %arg17[%swap3A_452, %swap3A_453, %swap3A_454], %get3A_451 {strides = array<i32>} : memref<4x200x128xf32, #tpu.memory_space<vmem>>, vector<4x200x128xf32>,
        %get3A_456 = arith.constant 0 : index
        %get3A_457 = arith.constant 0 : index
        %get3A_458 = arith.constant 0 : index
        %get3A_459 = vector.load %arg29[%get3A_456, %get3A_457, %get3A_458] : memref<4x64x128xf32, #tpu.memory_space<vmem>>, vector<4x64x128xf32>
        %swap3A_460 = arith.constant 0 : index
        %swap3A_461 = arith.constant 0 : index
        %swap3A_462 = arith.constant 0 : index
        %swap3A_463 = vector.load %arg18[%swap3A_460, %swap3A_461, %swap3A_462] : memref<4x64x128xf32, #tpu.memory_space<vmem>>, vector<4x64x128xf32>
        tpu.vector_store %arg18[%swap3A_460, %swap3A_461, %swap3A_462], %get3A_459 {strides = array<i32>} : memref<4x64x128xf32, #tpu.memory_space<vmem>>, vector<4x64x128xf32>,
        %get3A_464 = arith.constant 0 : index
        %get3A_465 = arith.constant 0 : index
        %get3A_466 = arith.constant 0 : index
        %get3A_467 = vector.load %arg30[%get3A_464, %get3A_465, %get3A_466] : memref<4x32x128xf32, #tpu.memory_space<vmem>>, vector<4x32x128xf32>
        %swap3A_468 = arith.constant 0 : index
        %swap3A_469 = arith.constant 0 : index
        %swap3A_470 = arith.constant 0 : index
        %swap3A_471 = vector.load %arg19[%swap3A_468, %swap3A_469, %swap3A_470] : memref<4x32x128xf32, #tpu.memory_space<vmem>>, vector<4x32x128xf32>
        tpu.vector_store %arg19[%swap3A_468, %swap3A_469, %swap3A_470], %get3A_467 {strides = array<i32>} : memref<4x32x128xf32, #tpu.memory_space<vmem>>, vector<4x32x128xf32>,
      } else {
      }
    } else {
    }
    return
  }
  func.func @transform_0(%arg0: i32, %arg1: i32) -> (i32, i32, i32) {
    %sub3A = arith.constant 1 : i32
    %sub3A_0 = arith.subi %sub3A, %arg0 : i32
    %mul3A = arith.muli %arg1, %sub3A_0 : i32
    %c0_i32 = arith.constant 0 : i32
    %c0_i32_1 = arith.constant 0 : i32
    %c0_i32_2 = arith.constant 0 : i32
    return %mul3A, %c0_i32, %c0_i32_1 : i32, i32, i32
  }
  func.func @transform_1(%arg0: i32, %arg1: i32) -> (i32, i32, i32) {
    %sub3A = arith.constant 1 : i32
    %sub3A_0 = arith.subi %sub3A, %arg0 : i32
    %mul3A = arith.muli %arg1, %sub3A_0 : i32
    %c0_i32 = arith.constant 0 : i32
    %c0_i32_1 = arith.constant 0 : i32
    %c0_i32_2 = arith.constant 0 : i32
    return %mul3A, %c0_i32, %c0_i32_1 : i32, i32, i32
  }
  func.func @transform_2(%arg0: i32, %arg1: i32) -> (i32, i32, i32) {
    %sub3A = arith.constant 1 : i32
    %sub3A_0 = arith.subi %sub3A, %arg0 : i32
    %mul3A = arith.muli %arg1, %sub3A_0 : i32
    %c0_i32 = arith.constant 0 : i32
    %c0_i32_1 = arith.constant 0 : i32
    %c0_i32_2 = arith.constant 0 : i32
    return %mul3A, %c0_i32, %c0_i32_1 : i32, i32, i32
  }
  func.func @transform_3(%arg0: i32, %arg1: i32) -> (i32, i32, i32) {
    %sub3A = arith.constant 1 : i32
    %sub3A_0 = arith.subi %sub3A, %arg0 : i32
    %mul3A = arith.muli %arg1, %sub3A_0 : i32
    %c0_i32 = arith.constant 0 : i32
    %c0_i32_1 = arith.constant 0 : i32
    %c0_i32_2 = arith.constant 0 : i32
    return %mul3A, %c0_i32, %c0_i32_1 : i32, i32, i32
  }
  func.func @transform_4(%arg0: i32, %arg1: i32) -> (i32, i32, i32) {
    %sub3A = arith.constant 1 : i32
    %sub3A_0 = arith.subi %sub3A, %arg0 : i32
    %mul3A = arith.muli %arg1, %sub3A_0 : i32
    %c0_i32 = arith.constant 0 : i32
    %c0_i32_1 = arith.constant 0 : i32
    %c0_i32_2 = arith.constant 0 : i32
    return %mul3A, %c0_i32, %c0_i32_1 : i32, i32, i32
  }
  func.func @transform_5(%arg0: i32, %arg1: i32) -> (i32, i32, i32) {
    %sub3A = arith.constant 1 : i32
    %sub3A_0 = arith.subi %sub3A, %arg0 : i32
    %mul3A = arith.muli %arg1, %sub3A_0 : i32
    %c0_i32 = arith.constant 0 : i32
    %c0_i32_1 = arith.constant 0 : i32
    %c0_i32_2 = arith.constant 0 : i32
    return %mul3A, %c0_i32, %c0_i32_1 : i32, i32, i32
  }
  func.func @transform_6(%arg0: i32, %arg1: i32) -> (i32, i32, i32) {
    %sub3A = arith.constant 1 : i32
    %sub3A_0 = arith.subi %sub3A, %arg0 : i32
    %mul3A = arith.muli %arg1, %sub3A_0 : i32
    %c0_i32 = arith.constant 0 : i32
    %c0_i32_1 = arith.constant 0 : i32
    %c0_i32_2 = arith.constant 0 : i32
    return %mul3A, %c0_i32, %c0_i32_1 : i32, i32, i32
  }
  func.func @transform_7(%arg0: i32, %arg1: i32) -> (i32, i32, i32) {
    %sub3A = arith.constant 1 : i32
    %sub3A_0 = arith.subi %sub3A, %arg0 : i32
    %mul3A = arith.muli %arg1, %sub3A_0 : i32
    %c0_i32 = arith.constant 0 : i32
    %c0_i32_1 = arith.constant 0 : i32
    %c0_i32_2 = arith.constant 0 : i32
    return %mul3A, %c0_i32, %c0_i32_1 : i32, i32, i32
  }
  func.func @transform_8(%arg0: i32, %arg1: i32) -> (i32, i32, i32) {
    %sub3A = arith.constant 1 : i32
    %sub3A_0 = arith.subi %sub3A, %arg0 : i32
    %mul3A = arith.muli %arg1, %sub3A_0 : i32
    %c0_i32 = arith.constant 0 : i32
    %c0_i32_1 = arith.constant 0 : i32
    %c0_i32_2 = arith.constant 0 : i32
    return %mul3A, %c0_i32, %c0_i32_1 : i32, i32, i32
  }
  func.func @transform_9(%arg0: i32, %arg1: i32) -> (i32, i32) {
    %c0_i32 = arith.constant 0 : i32
    %c0_i32_0 = arith.constant 0 : i32
    %c0_i32_1 = arith.constant 0 : i32
    return %c0_i32, %c0_i32_0 : i32, i32
  }
  func.func @transform_10(%arg0: i32, %arg1: i32) -> (i32, i32) {
    %c0_i32 = arith.constant 0 : i32
    %c0_i32_0 = arith.constant 0 : i32
    %c0_i32_1 = arith.constant 0 : i32
    return %c0_i32, %c0_i32_0 : i32, i32
  }
  func.func @transform_11(%arg0: i32, %arg1: i32) -> (i32, i32) {
    %c0_i32 = arith.constant 0 : i32
    %c0_i32_0 = arith.constant 0 : i32
    %c0_i32_1 = arith.constant 0 : i32
    return %c0_i32, %c0_i32_0 : i32, i32
  }
  func.func @transform_12(%arg0: i32, %arg1: i32) -> (i32, i32) {
    %c0_i32 = arith.constant 0 : i32
    %c0_i32_0 = arith.constant 0 : i32
    %c0_i32_1 = arith.constant 0 : i32
    return %c0_i32, %c0_i32_0 : i32, i32
  }
  func.func @transform_13(%arg0: i32, %arg1: i32) -> (i32, i32) {
    %c0_i32 = arith.constant 0 : i32
    %c0_i32_0 = arith.constant 0 : i32
    %c0_i32_1 = arith.constant 0 : i32
    return %c0_i32, %c0_i32_0 : i32, i32
  }
  func.func @transform_14(%arg0: i32, %arg1: i32) -> (i32, i32) {
    %c0_i32 = arith.constant 0 : i32
    %c0_i32_0 = arith.constant 0 : i32
    %c0_i32_1 = arith.constant 0 : i32
    return %c0_i32, %c0_i32_0 : i32, i32
  }
  func.func @transform_15(%arg0: i32, %arg1: i32) -> (i32, i32, i32) {
    %sub3A = arith.constant 1 : i32
    %sub3A_0 = arith.subi %sub3A, %arg0 : i32
    %mul3A = arith.muli %arg1, %sub3A_0 : i32
    %c0_i32 = arith.constant 0 : i32
    %c0_i32_1 = arith.constant 0 : i32
    %c0_i32_2 = arith.constant 0 : i32
    return %mul3A, %c0_i32, %c0_i32_1 : i32, i32, i32
  }
  func.func @transform_16(%arg0: i32, %arg1: i32) -> (i32, i32, i32) {
    %sub3A = arith.constant 1 : i32
    %sub3A_0 = arith.subi %sub3A, %arg0 : i32
    %mul3A = arith.muli %arg1, %sub3A_0 : i32
    %c0_i32 = arith.constant 0 : i32
    %c0_i32_1 = arith.constant 0 : i32
    %c0_i32_2 = arith.constant 0 : i32
    return %mul3A, %c0_i32, %c0_i32_1 : i32, i32, i32
  }
  func.func @transform_17(%arg0: i32, %arg1: i32) -> (i32, i32, i32) {
    %sub3A = arith.constant 1 : i32
    %sub3A_0 = arith.subi %sub3A, %arg0 : i32
    %mul3A = arith.muli %arg1, %sub3A_0 : i32
    %c0_i32 = arith.constant 0 : i32
    %c0_i32_1 = arith.constant 0 : i32
    %c0_i32_2 = arith.constant 0 : i32
    return %mul3A, %c0_i32, %c0_i32_1 : i32, i32, i32
  }
  func.func @transform_18(%arg0: i32, %arg1: i32) -> (i32, i32, i32) {
    %mul3A = arith.muli %arg1, %arg0 : i32
    %c0_i32 = arith.constant 0 : i32
    %c0_i32_0 = arith.constant 0 : i32
    %c0_i32_1 = arith.constant 0 : i32
    return %mul3A, %c0_i32, %c0_i32_0 : i32, i32, i32
  }
  func.func @transform_19(%arg0: i32, %arg1: i32) -> (i32, i32, i32) {
    %mul3A = arith.muli %arg1, %arg0 : i32
    %c0_i32 = arith.constant 0 : i32
    %c0_i32_0 = arith.constant 0 : i32
    %c0_i32_1 = arith.constant 0 : i32
    return %mul3A, %c0_i32, %c0_i32_0 : i32, i32, i32
  }
  func.func @transform_20(%arg0: i32, %arg1: i32) -> (i32, i32, i32) {
    %mul3A = arith.muli %arg1, %arg0 : i32
    %c0_i32 = arith.constant 0 : i32
    %c0_i32_0 = arith.constant 0 : i32
    %c0_i32_1 = arith.constant 0 : i32
    return %mul3A, %c0_i32, %c0_i32_0 : i32, i32, i32
  }
  func.func @transform_21(%arg0: i32, %arg1: i32) -> (i32, i32, i32) {
    %mul3A = arith.muli %arg1, %arg0 : i32
    %c0_i32 = arith.constant 0 : i32
    %c0_i32_0 = arith.constant 0 : i32
    %c0_i32_1 = arith.constant 0 : i32
    return %mul3A, %c0_i32, %c0_i32_0 : i32, i32, i32
  }
}

</mosaic_0001>

<sc_bundles>
// kernel: kernel.4.cloned.1.call-start
scs
__scs_entry_jumppad:
0x0: {  	(pc) =	sbr.rel $0x88, $3  }
0x1: {  	(tag) =	ssettag $0x0;
	lr =	simm.s32 $0x1  }
0x2: {  	[smem:$0x3F92] =	sst lr;
	_ =	strace $0xD0000000  }
0x3: {  	_ = 	snop  }
0x4: {  	_ = 	snop  }
0x5: {  	_ = 	snop  }
0x6: {  	_ = 	snop  }
0x7: {  	_ = 	snop  }
__scs_overlays_trampoline_lowered:
0x8: {  	[smem:$0x3FA1] =	sst s0  }
0x9: {  	[smem:$0x3FA2] =	sst s1  }
0xa: {  	[smem:$0x3FA3] =	sst s2  }
0xb: {  	[smem:$0x3FA4] =	sst s3  }
0xc: {  	[smem:$0x3FA5] =	sst s4  }
0xd: {  	[smem:$0x3FA6] =	sst s5  }
0xe: {  	[smem:$0x3FA7] =	sst s6  }
0xf: {  	[smem:$0x3FA8] =	sst s7  }
0x10: {  	[smem:$0x3FA9] =	sst s8  }
0x11: {  	[smem:$0x3FAA] =	sst s9;
	s0 =	simm.s32 @!p0 $0x0  }
0x12: {  	s1 =	sld [smem:$0x3F90];
	s0 =	simm.s32 @p0 $0x1  }
0x13: {  	[smem:$0x3FAB] =	sst s0;
	s0 =	simm.s32 @!p1 $0x0  }
0x14: {  	s2 =	sld [smem:$0x3F8F];
	s0 =	simm.s32 @p1 $0x1  }
0x15: {  	[smem:$0x3FAC] =	sst s0;
	s0 =	simm.s32 @!p2 $0x0  }
0x16: {  	s3 =	sld [smem:$0x3FDB];
	s0 =	simm.s32 @p2 $0x1  }
0x17: {  	s4 =	simm.s32 $0x1BF5;
	[smem:$0x3FAE] =	sst s0  }
0x18: {  	s0 =	sld [smem:$0x3F91];
	_ =	swait.ge [sflag:s4], $0x0  }
0x19: {  	s7 =	sld [smem:$0x3F92]  }
0x1a: {  	s8 =	sadd.s32 $0xFFFFE003, lr  }
0x1b: {  	s9 =	sadd.s32 $0xFFFFFEF7, lr;
	s5 =	simm.s32 $0xFFFFFFFF;
	p2 =	slt.u32 s8, $0xFFFFF086  }
0x1c: {  	p1 =	slt.u32 s9, $0xF7A;
	s5 =	simm.s32 @!p2 $0x0  }
0x1d: {  	s5 =	simm.s32 @p1 $0x1;
	p0 =	seq.s32 s7, s2  }
0x1e: {  	s7 =	smul.u32 @!p0 $0xF7A, s2;
	p2 =	seq.s32 @!p0 s5, $0x0  }
0x1f: {  	s9 =	smul.u32 $0xF7A, s1;
	s8 =	simm.s32 @!p0 $0x1BF5;
	p2 =	por !p2, p0  }
0x20: {  	[sflag:s8] =	ssyncset.s32 @!p0 $0xFFFFF086;
	s6 =	sadd.s32 @!p0 s3, s7;
	s7 =	simm.s32 @!p0 $0x108  }
0x21: {  	s3 =	sadd.s32 s3, s9;
	s6 =	sadd.s32 @!p0 $0x88, s6;
	s7 =	simm.s32 @p2 $0x1082  }
0x22: {  	[simem:s7], [sflag:s8] =	dma.local @!p0 [hbm:s6], $0xF7A  }
0x23: {  	s9 =	sor.u32 $0xD0000000, s2;
	s6 =	simm.s32 $0x108;
	_ =	swait.ge @!p0 [sflag:s8], $0x0  }
0x24: {  	s3 =	sadd.s32 $0x88, s3;
	s6 =	simm.s32 @!p1 $0x1082;
	[sflag:s4] =	ssyncset.s32 $0xFFFFF086  }
0x25: {  	[simem:s6], [sflag:s4] =	dma.local [hbm:s3], $0xF7A  }
0x26: {  	[smem:$0x3F92] =	sst s1;
	(tag) =	ssettag s2;
	_ =	strace s9  }
0x27: {  	s1 =	sld [smem:$0x3FA2]  }
0x28: {  	s2 =	sld [smem:$0x3FA3]  }
0x29: {  	s4 =	sld [smem:$0x3FA5]  }
0x2a: {  	p0 =	seq.s32 s5, $0x0;
	s5 =	sld [smem:$0x3FA6]  }
0x2b: {  	s6 =	sld [smem:$0x3FA7]  }
0x2c: {  	s7 =	sld [smem:$0x3FA8]  }
0x2d: {  	s3 =	simm.s32 $0x108;
	s8 =	sld [smem:$0x3FA9]  }
0x2e: {  	s3 =	simm.s32 @!p0 $0x1082;
	s9 =	sld [smem:$0x3FAA]  }
0x2f: {  	lr =	sadd.s32 s0, s3;
	s0 =	sld [smem:$0x3FA1]  }
0x30: {  	s3 =	sld [smem:$0x3FA4]  }
0x31: {  	[smem:$0x3FAD] =	sst s10  }
0x32: {  	s10 =	sld [smem:$0x3FAB];
	_ =	sdelay $0x3  }
0x33: {  	p0 =	seq.s32 s10, $0x1;
	s10 =	sld [smem:$0x3FAD];
	_ =	sdelay $0x3  }
0x34: {  	[smem:$0x3FAD] =	sst s10  }
0x35: {  	s10 =	sld [smem:$0x3FAC];
	_ =	sdelay $0x3  }
0x36: {  	p1 =	seq.s32 s10, $0x1;
	s10 =	sld [smem:$0x3FAD];
	_ =	sdelay $0x3  }
0x37: {  	[smem:$0x3FAD] =	sst s10  }
0x38: {  	s10 =	sld [smem:$0x3FAE]  }
0x39: {  	_ = 	snop;
	(pc) =	sbr.ind lr, $3  }
0x3a: {  	_ = 	snop  }
0x3b: {  	_ = 	snop  }
0x3c: {  	p2 =	seq.s32 s10, $0x1;
	s10 =	sld [smem:$0x3FAD]  }
0x3d: {  	_ =	shalt  }
0x3e: {  	_ =	shalt  }
0x3f: {  	_ =	shalt  }
0x40: {  	_ =	shalt  }
0x41: {  	_ =	shalt  }
0x42: {  	_ =	shalt  }
0x43: {  	_ =	shalt  }
0x44: {  	_ =	shalt  }
0x45: {  	_ =	shalt  }
0x46: {  	_ =	shalt  }
0x47: {  	_ =	shalt  }
0x48: {  	_ =	shalt  }
0x49: {  	_ =	shalt  }
0x4a: {  	_ =	shalt  }
0x4b: {  	_ =	shalt  }
0x4c: {  	_ =	shalt  }
0x4d: {  	_ =	shalt  }
0x4e: {  	_ =	shalt  }
0x4f: {  	_ =	shalt  }
0x50: {  	_ =	shalt  }
0x51: {  	_ =	shalt  }
0x52: {  	_ =	shalt  }
0x53: {  	_ =	shalt  }
0x54: {  	_ =	shalt  }
0x55: {  	_ =	shalt  }
0x56: {  	_ =	shalt  }
0x57: {  	_ =	shalt  }
0x58: {  	_ =	shalt  }
0x59: {  	_ =	shalt  }
0x5a: {  	_ =	shalt  }
0x5b: {  	_ =	shalt  }
0x5c: {  	_ =	shalt  }
0x5d: {  	_ =	shalt  }
0x5e: {  	_ =	shalt  }
0x5f: {  	_ =	shalt  }
0x60: {  	_ =	shalt  }
0x61: {  	_ =	shalt  }
0x62: {  	_ =	shalt  }
0x63: {  	_ =	shalt  }
0x64: {  	_ =	shalt  }
0x65: {  	_ =	shalt  }
0x66: {  	_ =	shalt  }
0x67: {  	_ =	shalt  }
0x68: {  	_ =	shalt  }
0x69: {  	_ =	shalt  }
0x6a: {  	_ =	shalt  }
0x6b: {  	_ =	shalt  }
0x6c: {  	_ =	shalt  }
0x6d: {  	_ =	shalt  }
0x6e: {  	_ =	shalt  }
0x6f: {  	_ =	shalt  }
0x70: {  	_ =	shalt  }
0x71: {  	_ =	shalt  }
0x72: {  	_ =	shalt  }
0x73: {  	_ =	shalt  }
0x74: {  	_ =	shalt  }
0x75: {  	_ =	shalt  }
0x76: {  	_ =	shalt  }
0x77: {  	_ =	shalt  }
0x78: {  	_ =	shalt  }
0x79: {  	_ =	shalt  }
0x7a: {  	_ =	shalt  }
0x7b: {  	_ =	shalt  }
0x7c: {  	_ =	shalt  }
0x7d: {  	_ =	shalt  }
0x7e: {  	_ =	shalt  }
0x7f: {  	_ =	shalt  }
0x80: {  	_ =	shalt  }
0x81: {  	_ =	shalt  }
0x82: {  	_ =	shalt  }
0x83: {  	_ =	shalt  }
0x84: {  	_ =	shalt  }
0x85: {  	_ =	shalt  }
0x86: {  	_ =	shalt  }
0x87: {  	_ =	shalt  }
.Lfunc_end0:
.L_simem_size_0:
called_computation_lowered:
.L_overlay_start_0:
0x88: {  	s2 =	sld [smem:$0x3FD9]  }
0x89: {  	s3 =	sld [smem:$0x3FFE];
	_ =	sdelay $0x1  }
0x8a: {  	s1 =	srdreg.scid  }
0x8b: {  	s0 =	sand.u32 $0x1, s1  }
0x8c: {  	s15 =	sshll.u32 s0, $0xA;
	s2 =	sadd.s32 s3, s2  }
0x8d: {  	s2 =	sadd.s32 s2, s15  }
0x8e: {  	[smem:$0x3FB9] =	sst s2  }
0x8f: {  	_ = 	snop  }
0x90: {  	s2 =	sld [smem:$0x3FD0];
	_ =	sdelay $0x2  }
0x91: {  	s16 =	simm.s32 $0xA;
	s4 =	simm.s32 $0x10  }
0x92: {  	[smem:s4], [sflag:s16] =	dma.local [hbm:s2], $0x1  }
0x93: {  	_ =	swait.eq [sflag:s16], $0x1  }
0x94: {  	s17 =	sld [smem:$0x12];
	[sflag:s16] =	ssyncset.done $0x0  }
0x95: {  	s18 =	sld [smem:$0x15];
	[sflag:s16] =	ssyncadd.s32 $0xFFFFFFFF  }
0x96: {  	s19 =	sld [smem:$0x16];
	(tm) =	ssettm $0x1  }
0x97: {  	s5 =	sld [smem:$0x3FFB];
	_ =	sdelay $0x3  }
0x98: {  	_ =	strace s5  }
0x99: {  	s5 =	sld [smem:$0x3FFC];
	_ =	sdelay $0x3  }
0x9a: {  	_ =	strace s5  }
0x9b: {  	s5 =	sld [smem:$0x3FFD];
	_ =	sdelay $0x3  }
0x9c: {  	_ =	strace s5  }
0x9d: {  	_ =	strace $0x8FFFFFFF  }
0x9e: {  	s20 =	sld [smem:$0x3FDB];
	_ =	sdelay $0x1  }
0x9f: {  	s6 =	simm.s32 $_scs_section_size  }
0xa0: {  	s7 =	simm.s32 $_size__tile_overlayer_lowered;
	s8 =	simm.s32 $_tile_overlayer_lowered  }
0xa1: {  	s23 =	simm.s32 $0x1BFF;
	s22 =	sshll.u32 s8, $0x1;
	s5 =	sadd.s32 s6, s20  }
0xa2: {  	s9 =	simm.s32 $0x0;
	s21 =	sshll.u32 s7, $0x1;
	s7 =	sadd.s32 s22, s5  }
0xa3: {  	[timem:s9], [sflag:s23] =	dma.local [hbm:s7], s21  }
0xa4: {  	_ =	swait.ge [sflag:s23], s21  }
0xa5: {  	s6 =	ssub.s32 $0x0, s21;
	[sflag:s23] =	ssyncset.done $0x0  }
0xa6: {  	[sflag:s23] =	ssyncadd.s32 s6;
	_ =	sdelay $0x1  }
0xa7: {  	s24 =	simm.s32 $0x1B8B  }
0xa8: {  	_ =	swait.ge [sflag:s24], $0x1  }
0xa9: {  	[sflag:s24] =	ssyncset.done $0x0  }
0xaa: {  	s25 =	simm.s32 $0x1B8E;
	[sflag:s24] =	ssyncadd.s32 $0xFFFFFFFF  }
0xab: {  	s26 =	simm.s32 $execute0_lowered;
	[smem:$0x3FD2] =	sst s25  }
0xac: {  	s6 =	sshll.u32 s26, $0x1;
	_ =	strace $0x80000046;
	[dreg:$0x1] =	wrdreg $0xFFFFFFFF  }
0xad: {  	s28 =	simm.s32 $_size_execute0_lowered;
	s5 =	sadd.s32 s5, s6;
	[dreg:$0x0] =	wrdreg $0x0  }
0xae: {  	s6 =	sshll.u32 s28, $0x1;
	[dreg:$0x2] =	wrdreg s5  }
0xaf: {  	[dreg:$0x3] =	wrdreg s6  }
0xb0: {  	[dreg:$0x4] =	wrdreg $0xC0  }
0xb1: {  	_ =	task [dreg:s9], $0x5FFFF  }
0xb2: {  	[dreg:$0x1] =	wrdreg $0xFFFFFFFF  }
0xb3: {  	[dreg:$0x0] =	wrdreg $0x60  }
0xb4: {  	[dreg:$0x2] =	wrdreg s18  }
0xb5: {  	[dreg:$0x3] =	wrdreg s19  }
0xb6: {  	[dreg:$0x4] =	wrdreg s17  }
0xb7: {  	[dreg:$0x5] =	wrdreg $0x9  }
0xb8: {  	_ =	task.clear_ibuf [dreg:s9], $0x6FFFF;
	_ =	strace $0x90000046  }
0xb9: {  	s29 =	simm.s32 $0x9;
	_ =	strace $0x80000048  }
0xba: {  	_ =	swait.ge [sflag:s29], $0x1  }
0xbb: {  	[sflag:s29] =	ssyncadd.s32 $0xFFFFFFFF  }
0xbc: {  	_ =	strace $0x90000048  }
0xbd: {  	_ =	sfence  }
0xbe: {  	s30 =	sld [smem:$0x0];
	_ =	sdelay $0x2  }
0xbf: {  	s31 =	sshll.u32 s1, $0xD;
	s1 =	sshrl.u32 s1, $0x2  }
0xc0: {  	s3 =	sand.u32 $0x4000, s31;
	s1 =	sadd.s32 s1, s30  }
0xc1: {  	s0 =	sor.u32 s3, s0;
	s1 =	sshll.u32 s1, $0x11  }
0xc2: {  	s0 =	sor.u32 s1, s0  }
0xc3: {  	s0 =	sadd.s32 $0x8F2B, s0  }
0xc4: {  	[sflag:s0] =	ssyncadd.remote.s32 $0x1  }
0xc5: {  	_ =	sfence.sel $0xFFFF  }
0xc6: {  	[dreg:$0x0] =	wrdreg $0xFFFFFFFF;
	(pc) =	sbr.abs _section_cstart, $3  }
0xc7: {  	[dreg:$0x1] =	wrdreg $0xFFFFFFFF  }
0xc8: {  	_ =	task.clear_ibuf [dreg:s9], $0x2FFFF;
	_ =	strace $0x9FFFFFFF  }
0xc9: {  	(tm) =	ssettm $0x7FFFFFFF  }
tec
execute0_lowered:
.L_overlay_start_1:
0x0: {  	(tag) =	ssettag $0x1  }
0x1: {  	s1 =	rddreg [dreg:$0x0]  }
0x2: {  	s2 =	srdreg.scid;
	s4 =	rddreg [dreg:$0x1]  }
0x3: {  	s0 =	stileid.u32;
	s9 =	rddreg [dreg:$0x2];
	s6 =	sand.u32 $0x1, s2  }
0x4: {  	s3 =	simm.s32 $0x0;
	s5 =	sshll.u32 s0, $0x7;
	s7 =	sshll.u32 s6, $0x6  }
0x5: {  	[smem:$0x7FF] =	sst s3;
	s10 =	sor.u32 s7, s5  }
0x6: {  	s2 =	rddreg [dreg:$0x3];
	_ =	strace $0x80000047;
	s5 =	sshrl.u32 s10, $0x3  }
0x7: {  	s11 =	ssub.s32 $0x2, s6;
	s5 =	sadd.s32 s4, s5;
	s4 =	simm.s32 $0x2  }
0x8: {  	[tilespmem:s3], [sflag:$0x2] =	stream.linear.gather [hbm4b:s5+s3], $0x40, $0x38;
	[tilespmem:$0x2080] =	vst v63  }
0x9: {  	s8 =	simm.s32 $0x1;
	s12 =	sshrl.u32 s11, $0x1;
	_ =	swait.ge [sflag:s4], $0x40  }
0xa: {  	s6 =	simm.s32 $0x40;
	s11 =	ssub.s32 s11, s12;
	[sflag:s4] =	ssyncset.done $0x0  }
0xb: {  	s7 =	simm.s32 $0x80;
	s31 =	smax.u32 s11, $0x1;
	[sflag:s4] =	ssyncadd.s32 $0xFFFFFFC0  }
0xc: {  	[tilespmem:s7], [sflag:$0x1] =	stream.indirect.gather [hbm4b:s1+s6], $0x80, s3, s6, $0xb8;
	[tilespmem:$0x2080] =	vst v63  }
0xd: {  	p0 =	sne.s32 s31, $0x1;
	_ =	swait.ge [sflag:s8], $0x2000  }
.Ltmp0:
0xe: {  	s10 =	sshll.u32 s10, $0x4;
	[sflag:s8] =	ssyncset.done $0x0;
	(pc) =	sbr.rel @!p0 .LBB2_2-.Ltmp0, $4  }
0xf: {  	s9 =	sadd.s32 s9, s10;
	[sflag:s8] =	ssyncadd.s32 $0xFFFFE000  }
0x10: {  	[hbm4b:s9+s3] =	stream.linear.scatter [tilespmem:s7], [sflag:$0x2], $0x2000, $0x38;
	[tilespmem:$0x2080] =	vst v63  }
0x11: {  	_ =	swait.ge [sflag:s4], $0x2000  }
0x12: {  	s10 =	sadd.s32 $0xFFFFFFFF, s31;
	[sflag:s4] =	ssyncset.done $0x0  }
.LBB2_1:
0x13: {  	p0 =	sne.s32 s10, $0x1;
	s10 =	sadd.s32 $0xFFFFFFFF, s10;
	[sflag:s4] =	ssyncadd.s32 $0xFFFFE000  }
0x14: {  	[tilespmem:s3], [sflag:$0x2] =	stream.linear.gather [hbm4b:s5+s3], $0x40, $0x38;
	[tilespmem:$0x2080] =	vst v63  }
0x15: {  	_ =	swait.ge [sflag:s4], $0x40  }
0x16: {  	[sflag:s4] =	ssyncset.done $0x0  }
0x17: {  	[sflag:s4] =	ssyncadd.s32 $0xFFFFFFC0  }
0x18: {  	[tilespmem:s7], [sflag:$0x1] =	stream.indirect.gather [hbm4b:s1+s6], $0x80, s3, s6, $0xb8;
	[tilespmem:$0x2080] =	vst v63  }
0x19: {  	_ =	swait.ge [sflag:s8], $0x2000  }
.Ltmp1:
0x1a: {  	[sflag:s8] =	ssyncset.done $0x0;
	(pc) =	sbr.rel @p0 .LBB2_1-.Ltmp1, $4  }
0x1b: {  	[sflag:s8] =	ssyncadd.s32 $0xFFFFE000  }
0x1c: {  	[hbm4b:s9+s3] =	stream.linear.scatter [tilespmem:s7], [sflag:$0x2], $0x2000, $0x38;
	[tilespmem:$0x2080] =	vst v63  }
0x1d: {  	_ =	swait.ge [sflag:s4], $0x2000  }
0x1e: {  	[sflag:s4] =	ssyncset.done $0x0  }
.LBB2_2:
0x1f: {  	[sflag:s4] =	ssyncadd.s32 $0xFFFFE000  }
0x20: {  	_ =	sfence.sel $0x180000  }
0x21: {  	[bflag:$0x0] =	sbarrier.arrive $0xFFFF  }
0x22: {  	p0 =	sne.s32 s0, $0x0;
	_ =	strace $0x90000047  }
0x23: {  	s0 =	sadd.s32 @!p0 $0x100000, s2;
	[bflag:$0x2] =	sbarrier.arrive $0xFFFF  }
0x24: {  	[sflag:s0] =	ssyncadd.tile.s32 @!p0 $0x1;
	_ =	shalt  }
.Lfunc_end2:
_tile_overlayer_lowered:
.L_overlay_start_2:
0x25: {  	(tag) =	ssettag $0x2  }
0x26: {  	s0 =	rddreg [dreg:$0x0];
	s2 =	stileid.u32  }
0x27: {  	s1 =	rddreg [dreg:$0x1];
	p0 =	sne.s32 s2, $0x0  }
0x28: {  	s3 =	rddreg [dreg:$0x2];
	[bflag:$0x3] =	sbarrier.arrive $0xFFFF;
	s2 =	simm.s32 @!p0 $0x1C02  }
0x29: {  	[timem:s3], [sflag:s2] =	dma.local @!p0 [hbm:s0], s1  }
0x2a: {  	s0 =	simm.s32 @!p0 $0x2  }
0x2b: {  	_ =	swait.ge @!p0 [sflag:s0], s1  }
0x2c: {  	s1 =	ssub.s32 @!p0 $0x0, s1;
	[sflag:s0] =	ssyncset.done @!p0 $0x0  }
0x2d: {  	[sflag:s0] =	ssyncadd.s32 @!p0 s1  }
0x2e: {  	[bflag:$0x3] =	sbarrier.arrive $0xFFFF  }
0x2f: {  	_ =	shalt  }

</sc_bundles>
